<compile_context>
chip_gen: v7x
topology: tpu7x:2x2x1
jax: 0.10.2.dev20260603
libtpu: 0.0.44.dev20260713+nightly
codegen_flags: <defaults>
</compile_context>

<pallas_src>
import jax
import jax.numpy as jnp
from jax import lax
from jax.experimental import pallas as pl
from jax.experimental.pallas import tpu as pltpu
from jax.experimental.pallas import tpu_sc as plsc

NC, NS, LANES = 2, 16, 16
NW = NC * NS

B, F_, L_, V_, D_ = 1024, 26, 20, 1000, 64
N = B * F_ * L_
PERIOD = F_ * L_
SUB = 104
NSUB = PERIOD // SUB
SPC = 2
NCHUNK = B // SPC
NV16 = PERIOD // LANES


def _body(idx_hbm, table_hbm, off_hbm, out_hbm, idx_v, adj_v, rows_v, off_v,
          gsem0, gsem1, ssem0, ssem1, isem):
    wid = lax.axis_index("s") * NC + lax.axis_index("c")
    gsems = (gsem0, gsem1)
    ssems = (ssem0, ssem1)
    pltpu.sync_copy(off_hbm, off_v)
    n_mine = NCHUNK // NW

    def first_sample(g):
        return SPC * (g * NW + wid)

    def idx_load(g, slot):
        g = jnp.minimum(g, n_mine - 1)
        base = pl.multiple_of(first_sample(g) * PERIOD, SPC * PERIOD)
        return pltpu.make_async_copy(
            idx_hbm.at[pl.ds(base, SPC * PERIOD)], idx_v.at[slot], isem
        )

    def make_store(g, h):
        row0 = pl.multiple_of((first_sample(g) + h) * PERIOD, PERIOD)
        return pltpu.make_async_copy(
            rows_v.at[h],
            out_hbm.at[pl.ds(row0, PERIOD)],
            ssems[h],
        )

    idx_load(0, 0).start()
    idx_load(0, 0).wait()

    def chunk(g, first):
        slot = lax.rem(g, 2)
        idx_load(g + 1, 1 - slot).start()
        for h in range(SPC):
            hb = h * PERIOD
            starts = [k * LANES for k in range(NV16)] + [PERIOD - LANES]
            for s in starts:
                off = off_v[pl.ds(s, LANES)]
                adj_v[slot, pl.ds(hb + s, LANES)] = (
                    idx_v[slot, pl.ds(hb + s, LANES)] + off
                )
        for h in range(SPC):
            @pl.when(jnp.logical_not(first))
            def _():
                make_store(g, h).wait()
            for j in range(NSUB):
                pltpu.make_async_copy(
                    table_hbm.at[adj_v.at[slot, pl.ds(h * PERIOD + j * SUB, SUB)]],
                    rows_v.at[h, pl.ds(j * SUB, SUB)],
                    gsems[h],
                ).start()
        for h in range(SPC):
            for j in range(NSUB):
                pltpu.make_async_copy(
                    table_hbm.at[adj_v.at[slot, pl.ds(h * PERIOD + j * SUB, SUB)]],
                    rows_v.at[h, pl.ds(j * SUB, SUB)],
                    gsems[h],
                ).wait()
            make_store(g, h).start()
        idx_load(g + 1, 1 - slot).wait()
        return jnp.bool_(False)

    lax.fori_loop(0, n_mine, chunk, jnp.bool_(True))
    for h in range(SPC):
        make_store(0, h).wait()


@jax.jit
def kernel(indices, tables):
    flat_tables = tables.reshape(F_ * V_, D_)
    idx1d = indices.reshape(N)
    off_lut = (jnp.arange(PERIOD, dtype=jnp.int32) // L_) * V_
    mesh = plsc.VectorSubcoreMesh(
        core_axis_name="c", subcore_axis_name="s", num_cores=NC, num_subcores=NS
    )
    out = pl.kernel(
        _body,
        out_type=jax.ShapeDtypeStruct((N, D_), jnp.float32),
        mesh=mesh,
        scratch_types=[
            pltpu.VMEM((2, SPC * PERIOD), jnp.int32),
            pltpu.VMEM((2, SPC * PERIOD), jnp.int32),
            pltpu.VMEM((SPC, PERIOD, D_), jnp.float32),
            pltpu.VMEM((PERIOD,), jnp.int32),
            pltpu.SemaphoreType.DMA,
            pltpu.SemaphoreType.DMA,
            pltpu.SemaphoreType.DMA,
            pltpu.SemaphoreType.DMA,
            pltpu.SemaphoreType.DMA,
        ],
        compiler_params=pltpu.CompilerParams(use_tc_tiling_on_sc=False),
    )(idx1d, flat_tables, off_lut)
    return out.reshape(B, F_ * L_ * D_)

# --- scband reference (transcript-rebuilt; emitter-appended) ---
"""Pipeline reference for scband-test-ecsparse-arch-33878702031562 (READ-ONLY COPY).

The authoritative reference and input builder live on the scoring server;
editing this copy changes nothing except your own understanding.
"""

import jax, jax.numpy as jnp
import numpy as np

B, F, L, V, D = 1024, 26, 20, 1000, 64


def setup_inputs(seed: int = 0) -> dict:
    key = jax.random.key(seed)
    k1, k2 = jax.random.split(key)
    # KJT modeled as dense rectangular jagged tensor: for each of F features,
    # each of B samples has exactly L values (indices into that feature's table).
    indices = jax.random.randint(k1, (B, F, L), 0, V, dtype=jnp.int32)
    # EmbeddingCollection parameters: one [V, D] table per feature, stacked.
    tables = jax.random.normal(k2, (F, V, D), dtype=jnp.float32) * 0.01
    return {"indices": indices, "tables": tables}


def reference(indices, tables):
    # EmbeddingCollection: per-value (sequence) embedding lookup per feature.
    F_, V_, D_ = tables.shape
    B_, _, L_ = indices.shape
    flat_tables = tables.reshape(F_ * V_, D_)
    offsets = (jnp.arange(F_, dtype=indices.dtype) * V_)[None, :, None]
    flat_idx = (indices + offsets).reshape(-1)
    emb = jnp.take(flat_tables, flat_idx, axis=0)  # [B*F*L, D]
    # _post_sparsenn_forward with fp_ebc=None, w_ebc=None, batch_size=None:
    # returns the KeyedTensor values unchanged -> concatenated per-sample values
    # across all features: [B, F*L*D].
    values = emb.reshape(B_, F_ * L_ * D_)
    return values

if __name__ == "__main__":
    import jax
    _d = setup_inputs()
    print(jax.jit(kernel)(*tuple(_d.values())))

</pallas_src>

<mosaic_0001>
#map = affine_map<(d0, d1) -> (0)>
#map1 = affine_map<(d0, d1) -> (0, 0)>
module attributes {stable_mosaic.version = 14 : i64} {
  func.func @_body(%arg0: i32, %arg1: i32, %arg2: memref<532480xi32, #tpu.memory_space<hbm>>, %arg3: memref<26000x64xf32, #tpu.memory_space<hbm>>, %arg4: memref<520xi32, #tpu.memory_space<hbm>>, %arg5: memref<532480x64xf32, #tpu.memory_space<hbm>>, %arg6: memref<2x1040xi32, #tpu.memory_space<vmem>>, %arg7: memref<2x1040xi32, #tpu.memory_space<vmem>>, %arg8: memref<2x520x64xf32, #tpu.memory_space<vmem>>, %arg9: memref<520xi32, #tpu.memory_space<vmem>>, %arg10: memref<!tpu.dma_semaphore, #tpu.memory_space<semaphore_mem>>, %arg11: memref<!tpu.dma_semaphore, #tpu.memory_space<semaphore_mem>>, %arg12: memref<!tpu.dma_semaphore, #tpu.memory_space<semaphore_mem>>, %arg13: memref<!tpu.dma_semaphore, #tpu.memory_space<semaphore_mem>>, %arg14: memref<!tpu.dma_semaphore, #tpu.memory_space<semaphore_mem>>) attributes {dimension_semantics = [#tpu.dimension_semantics<core_parallel>, #tpu.dimension_semantics<subcore_parallel>], iteration_bounds = array<i64: 2, 16>, scalar_prefetch = 0 : i64, scratch_operands = 9 : i64, tpu.core_type = #tpu.core_type<sc_vector_subcore>, window_params = [{transform_indices = #map}, {transform_indices = #map1}, {transform_indices = #map}, {transform_indices = #map1}]} {
    %mul3A = arith.constant 2 : i32
    %mul3A_0 = arith.muli %arg1, %mul3A : i32
    %add3A = arith.addi %mul3A_0, %arg0 : i32
    "tpu.region"() ({
      %run_scoped3A = tpu.sem_alloc : memref<!tpu.dma_semaphore, #tpu.memory_space<semaphore_mem>>
      tpu.enqueue_dma source(%arg4 : memref<520xi32, #tpu.memory_space<hbm>>) target(%arg9 : memref<520xi32, #tpu.memory_space<vmem>>) target_semaphore(%run_scoped3A : memref<!tpu.dma_semaphore, #tpu.memory_space<semaphore_mem>>)
      tpu.wait_dma2 semaphore(%run_scoped3A : memref<!tpu.dma_semaphore, #tpu.memory_space<semaphore_mem>>) src(%arg4 : memref<520xi32, #tpu.memory_space<hbm>>) dst(%arg9 : memref<520xi32, #tpu.memory_space<vmem>>)
      tpu.yield
    }) : () -> ()
    %min3A = arith.constant 0 : i32
    %min3A_1 = arith.constant 15 : i32
    %min3A_2 = arith.minsi %min3A, %min3A_1 : i32
    %mul3A_3 = arith.constant 32 : i32
    %mul3A_4 = arith.muli %min3A_2, %mul3A_3 : i32
    %add3A_5 = arith.addi %mul3A_4, %add3A : i32
    %mul3A_6 = arith.constant 2 : i32
    %mul3A_7 = arith.muli %mul3A_6, %add3A_5 : i32
    %mul3A_8 = arith.constant 520 : i32
    %mul3A_9 = arith.muli %mul3A_7, %mul3A_8 : i32
    %multiple_of3A = tpu.assume_multiple %mul3A_9, 1040 : i32
    %dma_start3A = arith.constant 0 : i32
    %dma_start3A_10 = arith.constant 0 : i32
    %dma_start3A_11 = tpu.memref_slice %arg6[%dma_start3A, %dma_start3A_10] : memref<2x1040xi32, #tpu.memory_space<vmem>> -> memref<1x1040xi32, #tpu.memory_space<vmem>>
    %dma_start3A_12 = tpu.memref_squeeze %dma_start3A_11 : memref<1x1040xi32, #tpu.memory_space<vmem>> -> memref<1040xi32, #tpu.memory_space<vmem>>
    %dma_start3A_13 = tpu.memref_slice %arg2[%multiple_of3A] : memref<532480xi32, #tpu.memory_space<hbm>> -> memref<1040xi32, #tpu.memory_space<hbm>>
    %dma_start3A_14 = arith.constant 0 : i32
    %dma_start3A_15 = tpu.memref_slice %arg6[%dma_start3A, %dma_start3A_14] : memref<2x1040xi32, #tpu.memory_space<vmem>> -> memref<1x1040xi32, #tpu.memory_space<vmem>>
    %dma_start3A_16 = tpu.memref_squeeze %dma_start3A_15 : memref<1x1040xi32, #tpu.memory_space<vmem>> -> memref<1040xi32, #tpu.memory_space<vmem>>
    %dma_start3A_17 = tpu.memref_slice %arg2[%multiple_of3A] : memref<532480xi32, #tpu.memory_space<hbm>> -> memref<1040xi32, #tpu.memory_space<hbm>>
    tpu.enqueue_dma source(%dma_start3A_17 : memref<1040xi32, #tpu.memory_space<hbm>>) target(%dma_start3A_16 : memref<1040xi32, #tpu.memory_space<vmem>>) target_semaphore(%arg14 : memref<!tpu.dma_semaphore, #tpu.memory_space<semaphore_mem>>)
    %min3A_18 = arith.constant 0 : i32
    %min3A_19 = arith.constant 15 : i32
    %min3A_20 = arith.minsi %min3A_18, %min3A_19 : i32
    %mul3A_21 = arith.constant 32 : i32
    %mul3A_22 = arith.muli %min3A_20, %mul3A_21 : i32
    %add3A_23 = arith.addi %mul3A_22, %add3A : i32
    %mul3A_24 = arith.constant 2 : i32
    %mul3A_25 = arith.muli %mul3A_24, %add3A_23 : i32
    %mul3A_26 = arith.constant 520 : i32
    %mul3A_27 = arith.muli %mul3A_25, %mul3A_26 : i32
    %multiple_of3A_28 = tpu.assume_multiple %mul3A_27, 1040 : i32
    %dma_wait3A = arith.constant 0 : i32
    %dma_wait3A_29 = arith.constant 0 : i32
    %dma_wait3A_30 = tpu.memref_slice %arg6[%dma_wait3A, %dma_wait3A_29] : memref<2x1040xi32, #tpu.memory_space<vmem>> -> memref<1x1040xi32, #tpu.memory_space<vmem>>
    %dma_wait3A_31 = tpu.memref_squeeze %dma_wait3A_30 : memref<1x1040xi32, #tpu.memory_space<vmem>> -> memref<1040xi32, #tpu.memory_space<vmem>>
    %dma_wait3A_32 = tpu.memref_slice %arg2[%multiple_of3A_28] : memref<532480xi32, #tpu.memory_space<hbm>> -> memref<1040xi32, #tpu.memory_space<hbm>>
    %dma_wait3A_33 = arith.constant 0 : i32
    %dma_wait3A_34 = tpu.memref_slice %arg6[%dma_wait3A, %dma_wait3A_33] : memref<2x1040xi32, #tpu.memory_space<vmem>> -> memref<1x1040xi32, #tpu.memory_space<vmem>>
    %dma_wait3A_35 = tpu.memref_squeeze %dma_wait3A_34 : memref<1x1040xi32, #tpu.memory_space<vmem>> -> memref<1040xi32, #tpu.memory_space<vmem>>
    %dma_wait3A_36 = tpu.memref_slice %arg2[%multiple_of3A_28] : memref<532480xi32, #tpu.memory_space<hbm>> -> memref<1040xi32, #tpu.memory_space<hbm>>
    tpu.wait_dma2 semaphore(%arg14 : memref<!tpu.dma_semaphore, #tpu.memory_space<semaphore_mem>>) src(%dma_wait3A_36 : memref<1040xi32, #tpu.memory_space<hbm>>) dst(%dma_wait3A_35 : memref<1040xi32, #tpu.memory_space<vmem>>)
    %scan3A = arith.constant true
    %scan3A_37 = arith.constant 0 : i32
    %scan3A_38 = arith.constant 16 : i32
    %scan3A_39 = arith.addi %scan3A_37, %scan3A_38 : i32
    %scan3A_40 = arith.constant 1 : i32
    %scan3A_41 = scf.for %scan3A_87 = %scan3A_37 to %scan3A_39 step %scan3A_40 iter_args(%scan3A_88 = %scan3A) -> (i1)  : i32 {
      %rem3A = arith.constant 2 : i32
      %rem3A_89 = arith.remsi %scan3A_87, %rem3A : i32
      %add3A_90 = arith.constant 1 : i32
      %add3A_91 = arith.addi %scan3A_87, %add3A_90 : i32
      %sub3A = arith.constant 1 : i32
      %sub3A_92 = arith.subi %sub3A, %rem3A_89 : i32
      %min3A_93 = arith.constant 15 : i32
      %min3A_94 = arith.minsi %add3A_91, %min3A_93 : i32
      %mul3A_95 = arith.constant 32 : i32
      %mul3A_96 = arith.muli %min3A_94, %mul3A_95 : i32
      %add3A_97 = arith.addi %mul3A_96, %add3A : i32
      %mul3A_98 = arith.constant 2 : i32
      %mul3A_99 = arith.muli %mul3A_98, %add3A_97 : i32
      %mul3A_100 = arith.constant 520 : i32
      %mul3A_101 = arith.muli %mul3A_99, %mul3A_100 : i32
      %multiple_of3A_102 = tpu.assume_multiple %mul3A_101, 1040 : i32
      %dma_start3A_103 = arith.constant 0 : i32
      %dma_start3A_104 = tpu.memref_slice %arg6[%sub3A_92, %dma_start3A_103] : memref<2x1040xi32, #tpu.memory_space<vmem>> -> memref<1x1040xi32, #tpu.memory_space<vmem>>
      %dma_start3A_105 = tpu.memref_squeeze %dma_start3A_104 : memref<1x1040xi32, #tpu.memory_space<vmem>> -> memref<1040xi32, #tpu.memory_space<vmem>>
      %dma_start3A_106 = tpu.memref_slice %arg2[%multiple_of3A_102] : memref<532480xi32, #tpu.memory_space<hbm>> -> memref<1040xi32, #tpu.memory_space<hbm>>
      %dma_start3A_107 = arith.constant 0 : i32
      %dma_start3A_108 = tpu.memref_slice %arg6[%sub3A_92, %dma_start3A_107] : memref<2x1040xi32, #tpu.memory_space<vmem>> -> memref<1x1040xi32, #tpu.memory_space<vmem>>
      %dma_start3A_109 = tpu.memref_squeeze %dma_start3A_108 : memref<1x1040xi32, #tpu.memory_space<vmem>> -> memref<1040xi32, #tpu.memory_space<vmem>>
      %dma_start3A_110 = tpu.memref_slice %arg2[%multiple_of3A_102] : memref<532480xi32, #tpu.memory_space<hbm>> -> memref<1040xi32, #tpu.memory_space<hbm>>
      tpu.enqueue_dma source(%dma_start3A_110 : memref<1040xi32, #tpu.memory_space<hbm>>) target(%dma_start3A_109 : memref<1040xi32, #tpu.memory_space<vmem>>) target_semaphore(%arg14 : memref<!tpu.dma_semaphore, #tpu.memory_space<semaphore_mem>>)
      %get3A = arith.constant 0 : index
      %get3A_111 = tpu.vector_load %arg9[%get3A] {strides = array<i32>} : memref<520xi32, #tpu.memory_space<vmem>>, vector<16xi32>,
      %get3A_112 = vector.shape_cast %get3A_111 : vector<16xi32> to vector<16xi32>
      %get3A_113 = arith.index_cast %rem3A_89 : i32 to index
      %get3A_114 = arith.constant 0 : index
      %get3A_115 = tpu.vector_load %arg6[%get3A_113, %get3A_114] {strides = array<i32>} : memref<2x1040xi32, #tpu.memory_space<vmem>>, vector<1x16xi32>,
      %get3A_116 = vector.shape_cast %get3A_115 : vector<1x16xi32> to vector<16xi32>
      %add3A_117 = arith.addi %get3A_116, %get3A_112 : vector<16xi32>
      %swap3A = arith.index_cast %rem3A_89 : i32 to index
      %swap3A_118 = arith.constant 0 : index
      %swap3A_119 = tpu.vector_load %arg7[%swap3A, %swap3A_118] {strides = array<i32>} : memref<2x1040xi32, #tpu.memory_space<vmem>>, vector<1x16xi32>,
      %swap3A_120 = vector.shape_cast %swap3A_119 : vector<1x16xi32> to vector<16xi32>
      %swap3A_121 = vector.shape_cast %add3A_117 : vector<16xi32> to vector<1x16xi32>
      tpu.vector_store %arg7[%swap3A, %swap3A_118], %swap3A_121 {strides = array<i32>} : memref<2x1040xi32, #tpu.memory_space<vmem>>, vector<1x16xi32>,
      %get3A_122 = arith.constant 16 : index
      %get3A_123 = tpu.vector_load %arg9[%get3A_122] {strides = array<i32>} : memref<520xi32, #tpu.memory_space<vmem>>, vector<16xi32>,
      %get3A_124 = vector.shape_cast %get3A_123 : vector<16xi32> to vector<16xi32>
      %get3A_125 = arith.index_cast %rem3A_89 : i32 to index
      %get3A_126 = arith.constant 16 : index
      %get3A_127 = tpu.vector_load %arg6[%get3A_125, %get3A_126] {strides = array<i32>} : memref<2x1040xi32, #tpu.memory_space<vmem>>, vector<1x16xi32>,
      %get3A_128 = vector.shape_cast %get3A_127 : vector<1x16xi32> to vector<16xi32>
      %add3A_129 = arith.addi %get3A_128, %get3A_124 : vector<16xi32>
      %swap3A_130 = arith.index_cast %rem3A_89 : i32 to index
      %swap3A_131 = arith.constant 16 : index
      %swap3A_132 = tpu.vector_load %arg7[%swap3A_130, %swap3A_131] {strides = array<i32>} : memref<2x1040xi32, #tpu.memory_space<vmem>>, vector<1x16xi32>,
      %swap3A_133 = vector.shape_cast %swap3A_132 : vector<1x16xi32> to vector<16xi32>
      %swap3A_134 = vector.shape_cast %add3A_129 : vector<16xi32> to vector<1x16xi32>
      tpu.vector_store %arg7[%swap3A_130, %swap3A_131], %swap3A_134 {strides = array<i32>} : memref<2x1040xi32, #tpu.memory_space<vmem>>, vector<1x16xi32>,
      %get3A_135 = arith.constant 32 : index
      %get3A_136 = tpu.vector_load %arg9[%get3A_135] {strides = array<i32>} : memref<520xi32, #tpu.memory_space<vmem>>, vector<16xi32>,
      %get3A_137 = vector.shape_cast %get3A_136 : vector<16xi32> to vector<16xi32>
      %get3A_138 = arith.index_cast %rem3A_89 : i32 to index
      %get3A_139 = arith.constant 32 : index
      %get3A_140 = tpu.vector_load %arg6[%get3A_138, %get3A_139] {strides = array<i32>} : memref<2x1040xi32, #tpu.memory_space<vmem>>, vector<1x16xi32>,
      %get3A_141 = vector.shape_cast %get3A_140 : vector<1x16xi32> to vector<16xi32>
      %add3A_142 = arith.addi %get3A_141, %get3A_137 : vector<16xi32>
      %swap3A_143 = arith.index_cast %rem3A_89 : i32 to index
      %swap3A_144 = arith.constant 32 : index
      %swap3A_145 = tpu.vector_load %arg7[%swap3A_143, %swap3A_144] {strides = array<i32>} : memref<2x1040xi32, #tpu.memory_space<vmem>>, vector<1x16xi32>,
      %swap3A_146 = vector.shape_cast %swap3A_145 : vector<1x16xi32> to vector<16xi32>
      %swap3A_147 = vector.shape_cast %add3A_142 : vector<16xi32> to vector<1x16xi32>
      tpu.vector_store %arg7[%swap3A_143, %swap3A_144], %swap3A_147 {strides = array<i32>} : memref<2x1040xi32, #tpu.memory_space<vmem>>, vector<1x16xi32>,
      %get3A_148 = arith.constant 48 : index
      %get3A_149 = tpu.vector_load %arg9[%get3A_148] {strides = array<i32>} : memref<520xi32, #tpu.memory_space<vmem>>, vector<16xi32>,
      %get3A_150 = vector.shape_cast %get3A_149 : vector<16xi32> to vector<16xi32>
      %get3A_151 = arith.index_cast %rem3A_89 : i32 to index
      %get3A_152 = arith.constant 48 : index
      %get3A_153 = tpu.vector_load %arg6[%get3A_151, %get3A_152] {strides = array<i32>} : memref<2x1040xi32, #tpu.memory_space<vmem>>, vector<1x16xi32>,
      %get3A_154 = vector.shape_cast %get3A_153 : vector<1x16xi32> to vector<16xi32>
      %add3A_155 = arith.addi %get3A_154, %get3A_150 : vector<16xi32>
      %swap3A_156 = arith.index_cast %rem3A_89 : i32 to index
      %swap3A_157 = arith.constant 48 : index
      %swap3A_158 = tpu.vector_load %arg7[%swap3A_156, %swap3A_157] {strides = array<i32>} : memref<2x1040xi32, #tpu.memory_space<vmem>>, vector<1x16xi32>,
      %swap3A_159 = vector.shape_cast %swap3A_158 : vector<1x16xi32> to vector<16xi32>
      %swap3A_160 = vector.shape_cast %add3A_155 : vector<16xi32> to vector<1x16xi32>
      tpu.vector_store %arg7[%swap3A_156, %swap3A_157], %swap3A_160 {strides = array<i32>} : memref<2x1040xi32, #tpu.memory_space<vmem>>, vector<1x16xi32>,
      %get3A_161 = arith.constant 64 : index
      %get3A_162 = tpu.vector_load %arg9[%get3A_161] {strides = array<i32>} : memref<520xi32, #tpu.memory_space<vmem>>, vector<16xi32>,
      %get3A_163 = vector.shape_cast %get3A_162 : vector<16xi32> to vector<16xi32>
      %get3A_164 = arith.index_cast %rem3A_89 : i32 to index
      %get3A_165 = arith.constant 64 : index
      %get3A_166 = tpu.vector_load %arg6[%get3A_164, %get3A_165] {strides = array<i32>} : memref<2x1040xi32, #tpu.memory_space<vmem>>, vector<1x16xi32>,
      %get3A_167 = vector.shape_cast %get3A_166 : vector<1x16xi32> to vector<16xi32>
      %add3A_168 = arith.addi %get3A_167, %get3A_163 : vector<16xi32>
      %swap3A_169 = arith.index_cast %rem3A_89 : i32 to index
      %swap3A_170 = arith.constant 64 : index
      %swap3A_171 = tpu.vector_load %arg7[%swap3A_169, %swap3A_170] {strides = array<i32>} : memref<2x1040xi32, #tpu.memory_space<vmem>>, vector<1x16xi32>,
      %swap3A_172 = vector.shape_cast %swap3A_171 : vector<1x16xi32> to vector<16xi32>
      %swap3A_173 = vector.shape_cast %add3A_168 : vector<16xi32> to vector<1x16xi32>
      tpu.vector_store %arg7[%swap3A_169, %swap3A_170], %swap3A_173 {strides = array<i32>} : memref<2x1040xi32, #tpu.memory_space<vmem>>, vector<1x16xi32>,
      %get3A_174 = arith.constant 80 : index
      %get3A_175 = tpu.vector_load %arg9[%get3A_174] {strides = array<i32>} : memref<520xi32, #tpu.memory_space<vmem>>, vector<16xi32>,
      %get3A_176 = vector.shape_cast %get3A_175 : vector<16xi32> to vector<16xi32>
      %get3A_177 = arith.index_cast %rem3A_89 : i32 to index
      %get3A_178 = arith.constant 80 : index
      %get3A_179 = tpu.vector_load %arg6[%get3A_177, %get3A_178] {strides = array<i32>} : memref<2x1040xi32, #tpu.memory_space<vmem>>, vector<1x16xi32>,
      %get3A_180 = vector.shape_cast %get3A_179 : vector<1x16xi32> to vector<16xi32>
      %add3A_181 = arith.addi %get3A_180, %get3A_176 : vector<16xi32>
      %swap3A_182 = arith.index_cast %rem3A_89 : i32 to index
      %swap3A_183 = arith.constant 80 : index
      %swap3A_184 = tpu.vector_load %arg7[%swap3A_182, %swap3A_183] {strides = array<i32>} : memref<2x1040xi32, #tpu.memory_space<vmem>>, vector<1x16xi32>,
      %swap3A_185 = vector.shape_cast %swap3A_184 : vector<1x16xi32> to vector<16xi32>
      %swap3A_186 = vector.shape_cast %add3A_181 : vector<16xi32> to vector<1x16xi32>
      tpu.vector_store %arg7[%swap3A_182, %swap3A_183], %swap3A_186 {strides = array<i32>} : memref<2x1040xi32, #tpu.memory_space<vmem>>, vector<1x16xi32>,
      %get3A_187 = arith.constant 96 : index
      %get3A_188 = tpu.vector_load %arg9[%get3A_187] {strides = array<i32>} : memref<520xi32, #tpu.memory_space<vmem>>, vector<16xi32>,
      %get3A_189 = vector.shape_cast %get3A_188 : vector<16xi32> to vector<16xi32>
      %get3A_190 = arith.index_cast %rem3A_89 : i32 to index
      %get3A_191 = arith.constant 96 : index
      %get3A_192 = tpu.vector_load %arg6[%get3A_190, %get3A_191] {strides = array<i32>} : memref<2x1040xi32, #tpu.memory_space<vmem>>, vector<1x16xi32>,
      %get3A_193 = vector.shape_cast %get3A_192 : vector<1x16xi32> to vector<16xi32>
      %add3A_194 = arith.addi %get3A_193, %get3A_189 : vector<16xi32>
      %swap3A_195 = arith.index_cast %rem3A_89 : i32 to index
      %swap3A_196 = arith.constant 96 : index
      %swap3A_197 = tpu.vector_load %arg7[%swap3A_195, %swap3A_196] {strides = array<i32>} : memref<2x1040xi32, #tpu.memory_space<vmem>>, vector<1x16xi32>,
      %swap3A_198 = vector.shape_cast %swap3A_197 : vector<1x16xi32> to vector<16xi32>
      %swap3A_199 = vector.shape_cast %add3A_194 : vector<16xi32> to vector<1x16xi32>
      tpu.vector_store %arg7[%swap3A_195, %swap3A_196], %swap3A_199 {strides = array<i32>} : memref<2x1040xi32, #tpu.memory_space<vmem>>, vector<1x16xi32>,
      %get3A_200 = arith.constant 112 : index
      %get3A_201 = tpu.vector_load %arg9[%get3A_200] {strides = array<i32>} : memref<520xi32, #tpu.memory_space<vmem>>, vector<16xi32>,
      %get3A_202 = vector.shape_cast %get3A_201 : vector<16xi32> to vector<16xi32>
      %get3A_203 = arith.index_cast %rem3A_89 : i32 to index
      %get3A_204 = arith.constant 112 : index
      %get3A_205 = tpu.vector_load %arg6[%get3A_203, %get3A_204] {strides = array<i32>} : memref<2x1040xi32, #tpu.memory_space<vmem>>, vector<1x16xi32>,
      %get3A_206 = vector.shape_cast %get3A_205 : vector<1x16xi32> to vector<16xi32>
      %add3A_207 = arith.addi %get3A_206, %get3A_202 : vector<16xi32>
      %swap3A_208 = arith.index_cast %rem3A_89 : i32 to index
      %swap3A_209 = arith.constant 112 : index
      %swap3A_210 = tpu.vector_load %arg7[%swap3A_208, %swap3A_209] {strides = array<i32>} : memref<2x1040xi32, #tpu.memory_space<vmem>>, vector<1x16xi32>,
      %swap3A_211 = vector.shape_cast %swap3A_210 : vector<1x16xi32> to vector<16xi32>
      %swap3A_212 = vector.shape_cast %add3A_207 : vector<16xi32> to vector<1x16xi32>
      tpu.vector_store %arg7[%swap3A_208, %swap3A_209], %swap3A_212 {strides = array<i32>} : memref<2x1040xi32, #tpu.memory_space<vmem>>, vector<1x16xi32>,
      %get3A_213 = arith.constant 128 : index
      %get3A_214 = tpu.vector_load %arg9[%get3A_213] {strides = array<i32>} : memref<520xi32, #tpu.memory_space<vmem>>, vector<16xi32>,
      %get3A_215 = vector.shape_cast %get3A_214 : vector<16xi32> to vector<16xi32>
      %get3A_216 = arith.index_cast %rem3A_89 : i32 to index
      %get3A_217 = arith.constant 128 : index
      %get3A_218 = tpu.vector_load %arg6[%get3A_216, %get3A_217] {strides = array<i32>} : memref<2x1040xi32, #tpu.memory_space<vmem>>, vector<1x16xi32>,
      %get3A_219 = vector.shape_cast %get3A_218 : vector<1x16xi32> to vector<16xi32>
      %add3A_220 = arith.addi %get3A_219, %get3A_215 : vector<16xi32>
      %swap3A_221 = arith.index_cast %rem3A_89 : i32 to index
      %swap3A_222 = arith.constant 128 : index
      %swap3A_223 = tpu.vector_load %arg7[%swap3A_221, %swap3A_222] {strides = array<i32>} : memref<2x1040xi32, #tpu.memory_space<vmem>>, vector<1x16xi32>,
      %swap3A_224 = vector.shape_cast %swap3A_223 : vector<1x16xi32> to vector<16xi32>
      %swap3A_225 = vector.shape_cast %add3A_220 : vector<16xi32> to vector<1x16xi32>
      tpu.vector_store %arg7[%swap3A_221, %swap3A_222], %swap3A_225 {strides = array<i32>} : memref<2x1040xi32, #tpu.memory_space<vmem>>, vector<1x16xi32>,
      %get3A_226 = arith.constant 144 : index
      %get3A_227 = tpu.vector_load %arg9[%get3A_226] {strides = array<i32>} : memref<520xi32, #tpu.memory_space<vmem>>, vector<16xi32>,
      %get3A_228 = vector.shape_cast %get3A_227 : vector<16xi32> to vector<16xi32>
      %get3A_229 = arith.index_cast %rem3A_89 : i32 to index
      %get3A_230 = arith.constant 144 : index
      %get3A_231 = tpu.vector_load %arg6[%get3A_229, %get3A_230] {strides = array<i32>} : memref<2x1040xi32, #tpu.memory_space<vmem>>, vector<1x16xi32>,
      %get3A_232 = vector.shape_cast %get3A_231 : vector<1x16xi32> to vector<16xi32>
      %add3A_233 = arith.addi %get3A_232, %get3A_228 : vector<16xi32>
      %swap3A_234 = arith.index_cast %rem3A_89 : i32 to index
      %swap3A_235 = arith.constant 144 : index
      %swap3A_236 = tpu.vector_load %arg7[%swap3A_234, %swap3A_235] {strides = array<i32>} : memref<2x1040xi32, #tpu.memory_space<vmem>>, vector<1x16xi32>,
      %swap3A_237 = vector.shape_cast %swap3A_236 : vector<1x16xi32> to vector<16xi32>
      %swap3A_238 = vector.shape_cast %add3A_233 : vector<16xi32> to vector<1x16xi32>
      tpu.vector_store %arg7[%swap3A_234, %swap3A_235], %swap3A_238 {strides = array<i32>} : memref<2x1040xi32, #tpu.memory_space<vmem>>, vector<1x16xi32>,
      %get3A_239 = arith.constant 160 : index
      %get3A_240 = tpu.vector_load %arg9[%get3A_239] {strides = array<i32>} : memref<520xi32, #tpu.memory_space<vmem>>, vector<16xi32>,
      %get3A_241 = vector.shape_cast %get3A_240 : vector<16xi32> to vector<16xi32>
      %get3A_242 = arith.index_cast %rem3A_89 : i32 to index
      %get3A_243 = arith.constant 160 : index
      %get3A_244 = tpu.vector_load %arg6[%get3A_242, %get3A_243] {strides = array<i32>} : memref<2x1040xi32, #tpu.memory_space<vmem>>, vector<1x16xi32>,
      %get3A_245 = vector.shape_cast %get3A_244 : vector<1x16xi32> to vector<16xi32>
      %add3A_246 = arith.addi %get3A_245, %get3A_241 : vector<16xi32>
      %swap3A_247 = arith.index_cast %rem3A_89 : i32 to index
      %swap3A_248 = arith.constant 160 : index
      %swap3A_249 = tpu.vector_load %arg7[%swap3A_247, %swap3A_248] {strides = array<i32>} : memref<2x1040xi32, #tpu.memory_space<vmem>>, vector<1x16xi32>,
      %swap3A_250 = vector.shape_cast %swap3A_249 : vector<1x16xi32> to vector<16xi32>
      %swap3A_251 = vector.shape_cast %add3A_246 : vector<16xi32> to vector<1x16xi32>
      tpu.vector_store %arg7[%swap3A_247, %swap3A_248], %swap3A_251 {strides = array<i32>} : memref<2x1040xi32, #tpu.memory_space<vmem>>, vector<1x16xi32>,
      %get3A_252 = arith.constant 176 : index
      %get3A_253 = tpu.vector_load %arg9[%get3A_252] {strides = array<i32>} : memref<520xi32, #tpu.memory_space<vmem>>, vector<16xi32>,
      %get3A_254 = vector.shape_cast %get3A_253 : vector<16xi32> to vector<16xi32>
      %get3A_255 = arith.index_cast %rem3A_89 : i32 to index
      %get3A_256 = arith.constant 176 : index
      %get3A_257 = tpu.vector_load %arg6[%get3A_255, %get3A_256] {strides = array<i32>} : memref<2x1040xi32, #tpu.memory_space<vmem>>, vector<1x16xi32>,
      %get3A_258 = vector.shape_cast %get3A_257 : vector<1x16xi32> to vector<16xi32>
      %add3A_259 = arith.addi %get3A_258, %get3A_254 : vector<16xi32>
      %swap3A_260 = arith.index_cast %rem3A_89 : i32 to index
      %swap3A_261 = arith.constant 176 : index
      %swap3A_262 = tpu.vector_load %arg7[%swap3A_260, %swap3A_261] {strides = array<i32>} : memref<2x1040xi32, #tpu.memory_space<vmem>>, vector<1x16xi32>,
      %swap3A_263 = vector.shape_cast %swap3A_262 : vector<1x16xi32> to vector<16xi32>
      %swap3A_264 = vector.shape_cast %add3A_259 : vector<16xi32> to vector<1x16xi32>
      tpu.vector_store %arg7[%swap3A_260, %swap3A_261], %swap3A_264 {strides = array<i32>} : memref<2x1040xi32, #tpu.memory_space<vmem>>, vector<1x16xi32>,
      %get3A_265 = arith.constant 192 : index
      %get3A_266 = tpu.vector_load %arg9[%get3A_265] {strides = array<i32>} : memref<520xi32, #tpu.memory_space<vmem>>, vector<16xi32>,
      %get3A_267 = vector.shape_cast %get3A_266 : vector<16xi32> to vector<16xi32>
      %get3A_268 = arith.index_cast %rem3A_89 : i32 to index
      %get3A_269 = arith.constant 192 : index
      %get3A_270 = tpu.vector_load %arg6[%get3A_268, %get3A_269] {strides = array<i32>} : memref<2x1040xi32, #tpu.memory_space<vmem>>, vector<1x16xi32>,
      %get3A_271 = vector.shape_cast %get3A_270 : vector<1x16xi32> to vector<16xi32>
      %add3A_272 = arith.addi %get3A_271, %get3A_267 : vector<16xi32>
      %swap3A_273 = arith.index_cast %rem3A_89 : i32 to index
      %swap3A_274 = arith.constant 192 : index
      %swap3A_275 = tpu.vector_load %arg7[%swap3A_273, %swap3A_274] {strides = array<i32>} : memref<2x1040xi32, #tpu.memory_space<vmem>>, vector<1x16xi32>,
      %swap3A_276 = vector.shape_cast %swap3A_275 : vector<1x16xi32> to vector<16xi32>
      %swap3A_277 = vector.shape_cast %add3A_272 : vector<16xi32> to vector<1x16xi32>
      tpu.vector_store %arg7[%swap3A_273, %swap3A_274], %swap3A_277 {strides = array<i32>} : memref<2x1040xi32, #tpu.memory_space<vmem>>, vector<1x16xi32>,
      %get3A_278 = arith.constant 208 : index
      %get3A_279 = tpu.vector_load %arg9[%get3A_278] {strides = array<i32>} : memref<520xi32, #tpu.memory_space<vmem>>, vector<16xi32>,
      %get3A_280 = vector.shape_cast %get3A_279 : vector<16xi32> to vector<16xi32>
      %get3A_281 = arith.index_cast %rem3A_89 : i32 to index
      %get3A_282 = arith.constant 208 : index
      %get3A_283 = tpu.vector_load %arg6[%get3A_281, %get3A_282] {strides = array<i32>} : memref<2x1040xi32, #tpu.memory_space<vmem>>, vector<1x16xi32>,
      %get3A_284 = vector.shape_cast %get3A_283 : vector<1x16xi32> to vector<16xi32>
      %add3A_285 = arith.addi %get3A_284, %get3A_280 : vector<16xi32>
      %swap3A_286 = arith.index_cast %rem3A_89 : i32 to index
      %swap3A_287 = arith.constant 208 : index
      %swap3A_288 = tpu.vector_load %arg7[%swap3A_286, %swap3A_287] {strides = array<i32>} : memref<2x1040xi32, #tpu.memory_space<vmem>>, vector<1x16xi32>,
      %swap3A_289 = vector.shape_cast %swap3A_288 : vector<1x16xi32> to vector<16xi32>
      %swap3A_290 = vector.shape_cast %add3A_285 : vector<16xi32> to vector<1x16xi32>
      tpu.vector_store %arg7[%swap3A_286, %swap3A_287], %swap3A_290 {strides = array<i32>} : memref<2x1040xi32, #tpu.memory_space<vmem>>, vector<1x16xi32>,
      %get3A_291 = arith.constant 224 : index
      %get3A_292 = tpu.vector_load %arg9[%get3A_291] {strides = array<i32>} : memref<520xi32, #tpu.memory_space<vmem>>, vector<16xi32>,
      %get3A_293 = vector.shape_cast %get3A_292 : vector<16xi32> to vector<16xi32>
      %get3A_294 = arith.index_cast %rem3A_89 : i32 to index
      %get3A_295 = arith.constant 224 : index
      %get3A_296 = tpu.vector_load %arg6[%get3A_294, %get3A_295] {strides = array<i32>} : memref<2x1040xi32, #tpu.memory_space<vmem>>, vector<1x16xi32>,
      %get3A_297 = vector.shape_cast %get3A_296 : vector<1x16xi32> to vector<16xi32>
      %add3A_298 = arith.addi %get3A_297, %get3A_293 : vector<16xi32>
      %swap3A_299 = arith.index_cast %rem3A_89 : i32 to index
      %swap3A_300 = arith.constant 224 : index
      %swap3A_301 = tpu.vector_load %arg7[%swap3A_299, %swap3A_300] {strides = array<i32>} : memref<2x1040xi32, #tpu.memory_space<vmem>>, vector<1x16xi32>,
      %swap3A_302 = vector.shape_cast %swap3A_301 : vector<1x16xi32> to vector<16xi32>
      %swap3A_303 = vector.shape_cast %add3A_298 : vector<16xi32> to vector<1x16xi32>
      tpu.vector_store %arg7[%swap3A_299, %swap3A_300], %swap3A_303 {strides = array<i32>} : memref<2x1040xi32, #tpu.memory_space<vmem>>, vector<1x16xi32>,
      %get3A_304 = arith.constant 240 : index
      %get3A_305 = tpu.vector_load %arg9[%get3A_304] {strides = array<i32>} : memref<520xi32, #tpu.memory_space<vmem>>, vector<16xi32>,
      %get3A_306 = vector.shape_cast %get3A_305 : vector<16xi32> to vector<16xi32>
      %get3A_307 = arith.index_cast %rem3A_89 : i32 to index
      %get3A_308 = arith.constant 240 : index
      %get3A_309 = tpu.vector_load %arg6[%get3A_307, %get3A_308] {strides = array<i32>} : memref<2x1040xi32, #tpu.memory_space<vmem>>, vector<1x16xi32>,
      %get3A_310 = vector.shape_cast %get3A_309 : vector<1x16xi32> to vector<16xi32>
      %add3A_311 = arith.addi %get3A_310, %get3A_306 : vector<16xi32>
      %swap3A_312 = arith.index_cast %rem3A_89 : i32 to index
      %swap3A_313 = arith.constant 240 : index
      %swap3A_314 = tpu.vector_load %arg7[%swap3A_312, %swap3A_313] {strides = array<i32>} : memref<2x1040xi32, #tpu.memory_space<vmem>>, vector<1x16xi32>,
      %swap3A_315 = vector.shape_cast %swap3A_314 : vector<1x16xi32> to vector<16xi32>
      %swap3A_316 = vector.shape_cast %add3A_311 : vector<16xi32> to vector<1x16xi32>
      tpu.vector_store %arg7[%swap3A_312, %swap3A_313], %swap3A_316 {strides = array<i32>} : memref<2x1040xi32, #tpu.memory_space<vmem>>, vector<1x16xi32>,
      %get3A_317 = arith.constant 256 : index
      %get3A_318 = tpu.vector_load %arg9[%get3A_317] {strides = array<i32>} : memref<520xi32, #tpu.memory_space<vmem>>, vector<16xi32>,
      %get3A_319 = vector.shape_cast %get3A_318 : vector<16xi32> to vector<16xi32>
      %get3A_320 = arith.index_cast %rem3A_89 : i32 to index
      %get3A_321 = arith.constant 256 : index
      %get3A_322 = tpu.vector_load %arg6[%get3A_320, %get3A_321] {strides = array<i32>} : memref<2x1040xi32, #tpu.memory_space<vmem>>, vector<1x16xi32>,
      %get3A_323 = vector.shape_cast %get3A_322 : vector<1x16xi32> to vector<16xi32>
      %add3A_324 = arith.addi %get3A_323, %get3A_319 : vector<16xi32>
      %swap3A_325 = arith.index_cast %rem3A_89 : i32 to index
      %swap3A_326 = arith.constant 256 : index
      %swap3A_327 = tpu.vector_load %arg7[%swap3A_325, %swap3A_326] {strides = array<i32>} : memref<2x1040xi32, #tpu.memory_space<vmem>>, vector<1x16xi32>,
      %swap3A_328 = vector.shape_cast %swap3A_327 : vector<1x16xi32> to vector<16xi32>
      %swap3A_329 = vector.shape_cast %add3A_324 : vector<16xi32> to vector<1x16xi32>
      tpu.vector_store %arg7[%swap3A_325, %swap3A_326], %swap3A_329 {strides = array<i32>} : memref<2x1040xi32, #tpu.memory_space<vmem>>, vector<1x16xi32>,
      %get3A_330 = arith.constant 272 : index
      %get3A_331 = tpu.vector_load %arg9[%get3A_330] {strides = array<i32>} : memref<520xi32, #tpu.memory_space<vmem>>, vector<16xi32>,
      %get3A_332 = vector.shape_cast %get3A_331 : vector<16xi32> to vector<16xi32>
      %get3A_333 = arith.index_cast %rem3A_89 : i32 to index
      %get3A_334 = arith.constant 272 : index
      %get3A_335 = tpu.vector_load %arg6[%get3A_333, %get3A_334] {strides = array<i32>} : memref<2x1040xi32, #tpu.memory_space<vmem>>, vector<1x16xi32>,
      %get3A_336 = vector.shape_cast %get3A_335 : vector<1x16xi32> to vector<16xi32>
      %add3A_337 = arith.addi %get3A_336, %get3A_332 : vector<16xi32>
      %swap3A_338 = arith.index_cast %rem3A_89 : i32 to index
      %swap3A_339 = arith.constant 272 : index
      %swap3A_340 = tpu.vector_load %arg7[%swap3A_338, %swap3A_339] {strides = array<i32>} : memref<2x1040xi32, #tpu.memory_space<vmem>>, vector<1x16xi32>,
      %swap3A_341 = vector.shape_cast %swap3A_340 : vector<1x16xi32> to vector<16xi32>
      %swap3A_342 = vector.shape_cast %add3A_337 : vector<16xi32> to vector<1x16xi32>
      tpu.vector_store %arg7[%swap3A_338, %swap3A_339], %swap3A_342 {strides = array<i32>} : memref<2x1040xi32, #tpu.memory_space<vmem>>, vector<1x16xi32>,
      %get3A_343 = arith.constant 288 : index
      %get3A_344 = tpu.vector_load %arg9[%get3A_343] {strides = array<i32>} : memref<520xi32, #tpu.memory_space<vmem>>, vector<16xi32>,
      %get3A_345 = vector.shape_cast %get3A_344 : vector<16xi32> to vector<16xi32>
      %get3A_346 = arith.index_cast %rem3A_89 : i32 to index
      %get3A_347 = arith.constant 288 : index
      %get3A_348 = tpu.vector_load %arg6[%get3A_346, %get3A_347] {strides = array<i32>} : memref<2x1040xi32, #tpu.memory_space<vmem>>, vector<1x16xi32>,
      %get3A_349 = vector.shape_cast %get3A_348 : vector<1x16xi32> to vector<16xi32>
      %add3A_350 = arith.addi %get3A_349, %get3A_345 : vector<16xi32>
      %swap3A_351 = arith.index_cast %rem3A_89 : i32 to index
      %swap3A_352 = arith.constant 288 : index
      %swap3A_353 = tpu.vector_load %arg7[%swap3A_351, %swap3A_352] {strides = array<i32>} : memref<2x1040xi32, #tpu.memory_space<vmem>>, vector<1x16xi32>,
      %swap3A_354 = vector.shape_cast %swap3A_353 : vector<1x16xi32> to vector<16xi32>
      %swap3A_355 = vector.shape_cast %add3A_350 : vector<16xi32> to vector<1x16xi32>
      tpu.vector_store %arg7[%swap3A_351, %swap3A_352], %swap3A_355 {strides = array<i32>} : memref<2x1040xi32, #tpu.memory_space<vmem>>, vector<1x16xi32>,
      %get3A_356 = arith.constant 304 : index
      %get3A_357 = tpu.vector_load %arg9[%get3A_356] {strides = array<i32>} : memref<520xi32, #tpu.memory_space<vmem>>, vector<16xi32>,
      %get3A_358 = vector.shape_cast %get3A_357 : vector<16xi32> to vector<16xi32>
      %get3A_359 = arith.index_cast %rem3A_89 : i32 to index
      %get3A_360 = arith.constant 304 : index
      %get3A_361 = tpu.vector_load %arg6[%get3A_359, %get3A_360] {strides = array<i32>} : memref<2x1040xi32, #tpu.memory_space<vmem>>, vector<1x16xi32>,
      %get3A_362 = vector.shape_cast %get3A_361 : vector<1x16xi32> to vector<16xi32>
      %add3A_363 = arith.addi %get3A_362, %get3A_358 : vector<16xi32>
      %swap3A_364 = arith.index_cast %rem3A_89 : i32 to index
      %swap3A_365 = arith.constant 304 : index
      %swap3A_366 = tpu.vector_load %arg7[%swap3A_364, %swap3A_365] {strides = array<i32>} : memref<2x1040xi32, #tpu.memory_space<vmem>>, vector<1x16xi32>,
      %swap3A_367 = vector.shape_cast %swap3A_366 : vector<1x16xi32> to vector<16xi32>
      %swap3A_368 = vector.shape_cast %add3A_363 : vector<16xi32> to vector<1x16xi32>
      tpu.vector_store %arg7[%swap3A_364, %swap3A_365], %swap3A_368 {strides = array<i32>} : memref<2x1040xi32, #tpu.memory_space<vmem>>, vector<1x16xi32>,
      %get3A_369 = arith.constant 320 : index
      %get3A_370 = tpu.vector_load %arg9[%get3A_369] {strides = array<i32>} : memref<520xi32, #tpu.memory_space<vmem>>, vector<16xi32>,
      %get3A_371 = vector.shape_cast %get3A_370 : vector<16xi32> to vector<16xi32>
      %get3A_372 = arith.index_cast %rem3A_89 : i32 to index
      %get3A_373 = arith.constant 320 : index
      %get3A_374 = tpu.vector_load %arg6[%get3A_372, %get3A_373] {strides = array<i32>} : memref<2x1040xi32, #tpu.memory_space<vmem>>, vector<1x16xi32>,
      %get3A_375 = vector.shape_cast %get3A_374 : vector<1x16xi32> to vector<16xi32>
      %add3A_376 = arith.addi %get3A_375, %get3A_371 : vector<16xi32>
      %swap3A_377 = arith.index_cast %rem3A_89 : i32 to index
      %swap3A_378 = arith.constant 320 : index
      %swap3A_379 = tpu.vector_load %arg7[%swap3A_377, %swap3A_378] {strides = array<i32>} : memref<2x1040xi32, #tpu.memory_space<vmem>>, vector<1x16xi32>,
      %swap3A_380 = vector.shape_cast %swap3A_379 : vector<1x16xi32> to vector<16xi32>
      %swap3A_381 = vector.shape_cast %add3A_376 : vector<16xi32> to vector<1x16xi32>
      tpu.vector_store %arg7[%swap3A_377, %swap3A_378], %swap3A_381 {strides = array<i32>} : memref<2x1040xi32, #tpu.memory_space<vmem>>, vector<1x16xi32>,
      %get3A_382 = arith.constant 336 : index
      %get3A_383 = tpu.vector_load %arg9[%get3A_382] {strides = array<i32>} : memref<520xi32, #tpu.memory_space<vmem>>, vector<16xi32>,
      %get3A_384 = vector.shape_cast %get3A_383 : vector<16xi32> to vector<16xi32>
      %get3A_385 = arith.index_cast %rem3A_89 : i32 to index
      %get3A_386 = arith.constant 336 : index
      %get3A_387 = tpu.vector_load %arg6[%get3A_385, %get3A_386] {strides = array<i32>} : memref<2x1040xi32, #tpu.memory_space<vmem>>, vector<1x16xi32>,
      %get3A_388 = vector.shape_cast %get3A_387 : vector<1x16xi32> to vector<16xi32>
      %add3A_389 = arith.addi %get3A_388, %get3A_384 : vector<16xi32>
      %swap3A_390 = arith.index_cast %rem3A_89 : i32 to index
      %swap3A_391 = arith.constant 336 : index
      %swap3A_392 = tpu.vector_load %arg7[%swap3A_390, %swap3A_391] {strides = array<i32>} : memref<2x1040xi32, #tpu.memory_space<vmem>>, vector<1x16xi32>,
      %swap3A_393 = vector.shape_cast %swap3A_392 : vector<1x16xi32> to vector<16xi32>
      %swap3A_394 = vector.shape_cast %add3A_389 : vector<16xi32> to vector<1x16xi32>
      tpu.vector_store %arg7[%swap3A_390, %swap3A_391], %swap3A_394 {strides = array<i32>} : memref<2x1040xi32, #tpu.memory_space<vmem>>, vector<1x16xi32>,
      %get3A_395 = arith.constant 352 : index
      %get3A_396 = tpu.vector_load %arg9[%get3A_395] {strides = array<i32>} : memref<520xi32, #tpu.memory_space<vmem>>, vector<16xi32>,
      %get3A_397 = vector.shape_cast %get3A_396 : vector<16xi32> to vector<16xi32>
      %get3A_398 = arith.index_cast %rem3A_89 : i32 to index
      %get3A_399 = arith.constant 352 : index
      %get3A_400 = tpu.vector_load %arg6[%get3A_398, %get3A_399] {strides = array<i32>} : memref<2x1040xi32, #tpu.memory_space<vmem>>, vector<1x16xi32>,
      %get3A_401 = vector.shape_cast %get3A_400 : vector<1x16xi32> to vector<16xi32>
      %add3A_402 = arith.addi %get3A_401, %get3A_397 : vector<16xi32>
      %swap3A_403 = arith.index_cast %rem3A_89 : i32 to index
      %swap3A_404 = arith.constant 352 : index
      %swap3A_405 = tpu.vector_load %arg7[%swap3A_403, %swap3A_404] {strides = array<i32>} : memref<2x1040xi32, #tpu.memory_space<vmem>>, vector<1x16xi32>,
      %swap3A_406 = vector.shape_cast %swap3A_405 : vector<1x16xi32> to vector<16xi32>
      %swap3A_407 = vector.shape_cast %add3A_402 : vector<16xi32> to vector<1x16xi32>
      tpu.vector_store %arg7[%swap3A_403, %swap3A_404], %swap3A_407 {strides = array<i32>} : memref<2x1040xi32, #tpu.memory_space<vmem>>, vector<1x16xi32>,
      %get3A_408 = arith.constant 368 : index
      %get3A_409 = tpu.vector_load %arg9[%get3A_408] {strides = array<i32>} : memref<520xi32, #tpu.memory_space<vmem>>, vector<16xi32>,
      %get3A_410 = vector.shape_cast %get3A_409 : vector<16xi32> to vector<16xi32>
      %get3A_411 = arith.index_cast %rem3A_89 : i32 to index
      %get3A_412 = arith.constant 368 : index
      %get3A_413 = tpu.vector_load %arg6[%get3A_411, %get3A_412] {strides = array<i32>} : memref<2x1040xi32, #tpu.memory_space<vmem>>, vector<1x16xi32>,
      %get3A_414 = vector.shape_cast %get3A_413 : vector<1x16xi32> to vector<16xi32>
      %add3A_415 = arith.addi %get3A_414, %get3A_410 : vector<16xi32>
      %swap3A_416 = arith.index_cast %rem3A_89 : i32 to index
      %swap3A_417 = arith.constant 368 : index
      %swap3A_418 = tpu.vector_load %arg7[%swap3A_416, %swap3A_417] {strides = array<i32>} : memref<2x1040xi32, #tpu.memory_space<vmem>>, vector<1x16xi32>,
      %swap3A_419 = vector.shape_cast %swap3A_418 : vector<1x16xi32> to vector<16xi32>
      %swap3A_420 = vector.shape_cast %add3A_415 : vector<16xi32> to vector<1x16xi32>
      tpu.vector_store %arg7[%swap3A_416, %swap3A_417], %swap3A_420 {strides = array<i32>} : memref<2x1040xi32, #tpu.memory_space<vmem>>, vector<1x16xi32>,
      %get3A_421 = arith.constant 384 : index
      %get3A_422 = tpu.vector_load %arg9[%get3A_421] {strides = array<i32>} : memref<520xi32, #tpu.memory_space<vmem>>, vector<16xi32>,
      %get3A_423 = vector.shape_cast %get3A_422 : vector<16xi32> to vector<16xi32>
      %get3A_424 = arith.index_cast %rem3A_89 : i32 to index
      %get3A_425 = arith.constant 384 : index
      %get3A_426 = tpu.vector_load %arg6[%get3A_424, %get3A_425] {strides = array<i32>} : memref<2x1040xi32, #tpu.memory_space<vmem>>, vector<1x16xi32>,
      %get3A_427 = vector.shape_cast %get3A_426 : vector<1x16xi32> to vector<16xi32>
      %add3A_428 = arith.addi %get3A_427, %get3A_423 : vector<16xi32>
      %swap3A_429 = arith.index_cast %rem3A_89 : i32 to index
      %swap3A_430 = arith.constant 384 : index
      %swap3A_431 = tpu.vector_load %arg7[%swap3A_429, %swap3A_430] {strides = array<i32>} : memref<2x1040xi32, #tpu.memory_space<vmem>>, vector<1x16xi32>,
      %swap3A_432 = vector.shape_cast %swap3A_431 : vector<1x16xi32> to vector<16xi32>
      %swap3A_433 = vector.shape_cast %add3A_428 : vector<16xi32> to vector<1x16xi32>
      tpu.vector_store %arg7[%swap3A_429, %swap3A_430], %swap3A_433 {strides = array<i32>} : memref<2x1040xi32, #tpu.memory_space<vmem>>, vector<1x16xi32>,
      %get3A_434 = arith.constant 400 : index
      %get3A_435 = tpu.vector_load %arg9[%get3A_434] {strides = array<i32>} : memref<520xi32, #tpu.memory_space<vmem>>, vector<16xi32>,
      %get3A_436 = vector.shape_cast %get3A_435 : vector<16xi32> to vector<16xi32>
      %get3A_437 = arith.index_cast %rem3A_89 : i32 to index
      %get3A_438 = arith.constant 400 : index
      %get3A_439 = tpu.vector_load %arg6[%get3A_437, %get3A_438] {strides = array<i32>} : memref<2x1040xi32, #tpu.memory_space<vmem>>, vector<1x16xi32>,
      %get3A_440 = vector.shape_cast %get3A_439 : vector<1x16xi32> to vector<16xi32>
      %add3A_441 = arith.addi %get3A_440, %get3A_436 : vector<16xi32>
      %swap3A_442 = arith.index_cast %rem3A_89 : i32 to index
      %swap3A_443 = arith.constant 400 : index
      %swap3A_444 = tpu.vector_load %arg7[%swap3A_442, %swap3A_443] {strides = array<i32>} : memref<2x1040xi32, #tpu.memory_space<vmem>>, vector<1x16xi32>,
      %swap3A_445 = vector.shape_cast %swap3A_444 : vector<1x16xi32> to vector<16xi32>
      %swap3A_446 = vector.shape_cast %add3A_441 : vector<16xi32> to vector<1x16xi32>
      tpu.vector_store %arg7[%swap3A_442, %swap3A_443], %swap3A_446 {strides = array<i32>} : memref<2x1040xi32, #tpu.memory_space<vmem>>, vector<1x16xi32>,
      %get3A_447 = arith.constant 416 : index
      %get3A_448 = tpu.vector_load %arg9[%get3A_447] {strides = array<i32>} : memref<520xi32, #tpu.memory_space<vmem>>, vector<16xi32>,
      %get3A_449 = vector.shape_cast %get3A_448 : vector<16xi32> to vector<16xi32>
      %get3A_450 = arith.index_cast %rem3A_89 : i32 to index
      %get3A_451 = arith.constant 416 : index
      %get3A_452 = tpu.vector_load %arg6[%get3A_450, %get3A_451] {strides = array<i32>} : memref<2x1040xi32, #tpu.memory_space<vmem>>, vector<1x16xi32>,
      %get3A_453 = vector.shape_cast %get3A_452 : vector<1x16xi32> to vector<16xi32>
      %add3A_454 = arith.addi %get3A_453, %get3A_449 : vector<16xi32>
      %swap3A_455 = arith.index_cast %rem3A_89 : i32 to index
      %swap3A_456 = arith.constant 416 : index
      %swap3A_457 = tpu.vector_load %arg7[%swap3A_455, %swap3A_456] {strides = array<i32>} : memref<2x1040xi32, #tpu.memory_space<vmem>>, vector<1x16xi32>,
      %swap3A_458 = vector.shape_cast %swap3A_457 : vector<1x16xi32> to vector<16xi32>
      %swap3A_459 = vector.shape_cast %add3A_454 : vector<16xi32> to vector<1x16xi32>
      tpu.vector_store %arg7[%swap3A_455, %swap3A_456], %swap3A_459 {strides = array<i32>} : memref<2x1040xi32, #tpu.memory_space<vmem>>, vector<1x16xi32>,
      %get3A_460 = arith.constant 432 : index
      %get3A_461 = tpu.vector_load %arg9[%get3A_460] {strides = array<i32>} : memref<520xi32, #tpu.memory_space<vmem>>, vector<16xi32>,
      %get3A_462 = vector.shape_cast %get3A_461 : vector<16xi32> to vector<16xi32>
      %get3A_463 = arith.index_cast %rem3A_89 : i32 to index
      %get3A_464 = arith.constant 432 : index
      %get3A_465 = tpu.vector_load %arg6[%get3A_463, %get3A_464] {strides = array<i32>} : memref<2x1040xi32, #tpu.memory_space<vmem>>, vector<1x16xi32>,
      %get3A_466 = vector.shape_cast %get3A_465 : vector<1x16xi32> to vector<16xi32>
      %add3A_467 = arith.addi %get3A_466, %get3A_462 : vector<16xi32>
      %swap3A_468 = arith.index_cast %rem3A_89 : i32 to index
      %swap3A_469 = arith.constant 432 : index
      %swap3A_470 = tpu.vector_load %arg7[%swap3A_468, %swap3A_469] {strides = array<i32>} : memref<2x1040xi32, #tpu.memory_space<vmem>>, vector<1x16xi32>,
      %swap3A_471 = vector.shape_cast %swap3A_470 : vector<1x16xi32> to vector<16xi32>
      %swap3A_472 = vector.shape_cast %add3A_467 : vector<16xi32> to vector<1x16xi32>
      tpu.vector_store %arg7[%swap3A_468, %swap3A_469], %swap3A_472 {strides = array<i32>} : memref<2x1040xi32, #tpu.memory_space<vmem>>, vector<1x16xi32>,
      %get3A_473 = arith.constant 448 : index
      %get3A_474 = tpu.vector_load %arg9[%get3A_473] {strides = array<i32>} : memref<520xi32, #tpu.memory_space<vmem>>, vector<16xi32>,
      %get3A_475 = vector.shape_cast %get3A_474 : vector<16xi32> to vector<16xi32>
      %get3A_476 = arith.index_cast %rem3A_89 : i32 to index
      %get3A_477 = arith.constant 448 : index
      %get3A_478 = tpu.vector_load %arg6[%get3A_476, %get3A_477] {strides = array<i32>} : memref<2x1040xi32, #tpu.memory_space<vmem>>, vector<1x16xi32>,
      %get3A_479 = vector.shape_cast %get3A_478 : vector<1x16xi32> to vector<16xi32>
      %add3A_480 = arith.addi %get3A_479, %get3A_475 : vector<16xi32>
      %swap3A_481 = arith.index_cast %rem3A_89 : i32 to index
      %swap3A_482 = arith.constant 448 : index
      %swap3A_483 = tpu.vector_load %arg7[%swap3A_481, %swap3A_482] {strides = array<i32>} : memref<2x1040xi32, #tpu.memory_space<vmem>>, vector<1x16xi32>,
      %swap3A_484 = vector.shape_cast %swap3A_483 : vector<1x16xi32> to vector<16xi32>
      %swap3A_485 = vector.shape_cast %add3A_480 : vector<16xi32> to vector<1x16xi32>
      tpu.vector_store %arg7[%swap3A_481, %swap3A_482], %swap3A_485 {strides = array<i32>} : memref<2x1040xi32, #tpu.memory_space<vmem>>, vector<1x16xi32>,
      %get3A_486 = arith.constant 464 : index
      %get3A_487 = tpu.vector_load %arg9[%get3A_486] {strides = array<i32>} : memref<520xi32, #tpu.memory_space<vmem>>, vector<16xi32>,
      %get3A_488 = vector.shape_cast %get3A_487 : vector<16xi32> to vector<16xi32>
      %get3A_489 = arith.index_cast %rem3A_89 : i32 to index
      %get3A_490 = arith.constant 464 : index
      %get3A_491 = tpu.vector_load %arg6[%get3A_489, %get3A_490] {strides = array<i32>} : memref<2x1040xi32, #tpu.memory_space<vmem>>, vector<1x16xi32>,
      %get3A_492 = vector.shape_cast %get3A_491 : vector<1x16xi32> to vector<16xi32>
      %add3A_493 = arith.addi %get3A_492, %get3A_488 : vector<16xi32>
      %swap3A_494 = arith.index_cast %rem3A_89 : i32 to index
      %swap3A_495 = arith.constant 464 : index
      %swap3A_496 = tpu.vector_load %arg7[%swap3A_494, %swap3A_495] {strides = array<i32>} : memref<2x1040xi32, #tpu.memory_space<vmem>>, vector<1x16xi32>,
      %swap3A_497 = vector.shape_cast %swap3A_496 : vector<1x16xi32> to vector<16xi32>
      %swap3A_498 = vector.shape_cast %add3A_493 : vector<16xi32> to vector<1x16xi32>
      tpu.vector_store %arg7[%swap3A_494, %swap3A_495], %swap3A_498 {strides = array<i32>} : memref<2x1040xi32, #tpu.memory_space<vmem>>, vector<1x16xi32>,
      %get3A_499 = arith.constant 480 : index
      %get3A_500 = tpu.vector_load %arg9[%get3A_499] {strides = array<i32>} : memref<520xi32, #tpu.memory_space<vmem>>, vector<16xi32>,
      %get3A_501 = vector.shape_cast %get3A_500 : vector<16xi32> to vector<16xi32>
      %get3A_502 = arith.index_cast %rem3A_89 : i32 to index
      %get3A_503 = arith.constant 480 : index
      %get3A_504 = tpu.vector_load %arg6[%get3A_502, %get3A_503] {strides = array<i32>} : memref<2x1040xi32, #tpu.memory_space<vmem>>, vector<1x16xi32>,
      %get3A_505 = vector.shape_cast %get3A_504 : vector<1x16xi32> to vector<16xi32>
      %add3A_506 = arith.addi %get3A_505, %get3A_501 : vector<16xi32>
      %swap3A_507 = arith.index_cast %rem3A_89 : i32 to index
      %swap3A_508 = arith.constant 480 : index
      %swap3A_509 = tpu.vector_load %arg7[%swap3A_507, %swap3A_508] {strides = array<i32>} : memref<2x1040xi32, #tpu.memory_space<vmem>>, vector<1x16xi32>,
      %swap3A_510 = vector.shape_cast %swap3A_509 : vector<1x16xi32> to vector<16xi32>
      %swap3A_511 = vector.shape_cast %add3A_506 : vector<16xi32> to vector<1x16xi32>
      tpu.vector_store %arg7[%swap3A_507, %swap3A_508], %swap3A_511 {strides = array<i32>} : memref<2x1040xi32, #tpu.memory_space<vmem>>, vector<1x16xi32>,
      %get3A_512 = arith.constant 496 : index
      %get3A_513 = tpu.vector_load %arg9[%get3A_512] {strides = array<i32>} : memref<520xi32, #tpu.memory_space<vmem>>, vector<16xi32>,
      %get3A_514 = vector.shape_cast %get3A_513 : vector<16xi32> to vector<16xi32>
      %get3A_515 = arith.index_cast %rem3A_89 : i32 to index
      %get3A_516 = arith.constant 496 : index
      %get3A_517 = tpu.vector_load %arg6[%get3A_515, %get3A_516] {strides = array<i32>} : memref<2x1040xi32, #tpu.memory_space<vmem>>, vector<1x16xi32>,
      %get3A_518 = vector.shape_cast %get3A_517 : vector<1x16xi32> to vector<16xi32>
      %add3A_519 = arith.addi %get3A_518, %get3A_514 : vector<16xi32>
      %swap3A_520 = arith.index_cast %rem3A_89 : i32 to index
      %swap3A_521 = arith.constant 496 : index
      %swap3A_522 = tpu.vector_load %arg7[%swap3A_520, %swap3A_521] {strides = array<i32>} : memref<2x1040xi32, #tpu.memory_space<vmem>>, vector<1x16xi32>,
      %swap3A_523 = vector.shape_cast %swap3A_522 : vector<1x16xi32> to vector<16xi32>
      %swap3A_524 = vector.shape_cast %add3A_519 : vector<16xi32> to vector<1x16xi32>
      tpu.vector_store %arg7[%swap3A_520, %swap3A_521], %swap3A_524 {strides = array<i32>} : memref<2x1040xi32, #tpu.memory_space<vmem>>, vector<1x16xi32>,
      %get3A_525 = arith.constant 504 : index
      %get3A_526 = tpu.vector_load %arg9[%get3A_525] {strides = array<i32>} : memref<520xi32, #tpu.memory_space<vmem>>, vector<16xi32>,
      %get3A_527 = vector.shape_cast %get3A_526 : vector<16xi32> to vector<16xi32>
      %get3A_528 = arith.index_cast %rem3A_89 : i32 to index
      %get3A_529 = arith.constant 504 : index
      %get3A_530 = tpu.vector_load %arg6[%get3A_528, %get3A_529] {strides = array<i32>} : memref<2x1040xi32, #tpu.memory_space<vmem>>, vector<1x16xi32>,
      %get3A_531 = vector.shape_cast %get3A_530 : vector<1x16xi32> to vector<16xi32>
      %add3A_532 = arith.addi %get3A_531, %get3A_527 : vector<16xi32>
      %swap3A_533 = arith.index_cast %rem3A_89 : i32 to index
      %swap3A_534 = arith.constant 504 : index
      %swap3A_535 = tpu.vector_load %arg7[%swap3A_533, %swap3A_534] {strides = array<i32>} : memref<2x1040xi32, #tpu.memory_space<vmem>>, vector<1x16xi32>,
      %swap3A_536 = vector.shape_cast %swap3A_535 : vector<1x16xi32> to vector<16xi32>
      %swap3A_537 = vector.shape_cast %add3A_532 : vector<16xi32> to vector<1x16xi32>
      tpu.vector_store %arg7[%swap3A_533, %swap3A_534], %swap3A_537 {strides = array<i32>} : memref<2x1040xi32, #tpu.memory_space<vmem>>, vector<1x16xi32>,
      %get3A_538 = arith.constant 0 : index
      %get3A_539 = tpu.vector_load %arg9[%get3A_538] {strides = array<i32>} : memref<520xi32, #tpu.memory_space<vmem>>, vector<16xi32>,
      %get3A_540 = vector.shape_cast %get3A_539 : vector<16xi32> to vector<16xi32>
      %get3A_541 = arith.index_cast %rem3A_89 : i32 to index
      %get3A_542 = arith.constant 520 : index
      %get3A_543 = tpu.vector_load %arg6[%get3A_541, %get3A_542] {strides = array<i32>} : memref<2x1040xi32, #tpu.memory_space<vmem>>, vector<1x16xi32>,
      %get3A_544 = vector.shape_cast %get3A_543 : vector<1x16xi32> to vector<16xi32>
      %add3A_545 = arith.addi %get3A_544, %get3A_540 : vector<16xi32>
      %swap3A_546 = arith.index_cast %rem3A_89 : i32 to index
      %swap3A_547 = arith.constant 520 : index
      %swap3A_548 = tpu.vector_load %arg7[%swap3A_546, %swap3A_547] {strides = array<i32>} : memref<2x1040xi32, #tpu.memory_space<vmem>>, vector<1x16xi32>,
      %swap3A_549 = vector.shape_cast %swap3A_548 : vector<1x16xi32> to vector<16xi32>
      %swap3A_550 = vector.shape_cast %add3A_545 : vector<16xi32> to vector<1x16xi32>
      tpu.vector_store %arg7[%swap3A_546, %swap3A_547], %swap3A_550 {strides = array<i32>} : memref<2x1040xi32, #tpu.memory_space<vmem>>, vector<1x16xi32>,
      %get3A_551 = arith.constant 16 : index
      %get3A_552 = tpu.vector_load %arg9[%get3A_551] {strides = array<i32>} : memref<520xi32, #tpu.memory_space<vmem>>, vector<16xi32>,
      %get3A_553 = vector.shape_cast %get3A_552 : vector<16xi32> to vector<16xi32>
      %get3A_554 = arith.index_cast %rem3A_89 : i32 to index
      %get3A_555 = arith.constant 536 : index
      %get3A_556 = tpu.vector_load %arg6[%get3A_554, %get3A_555] {strides = array<i32>} : memref<2x1040xi32, #tpu.memory_space<vmem>>, vector<1x16xi32>,
      %get3A_557 = vector.shape_cast %get3A_556 : vector<1x16xi32> to vector<16xi32>
      %add3A_558 = arith.addi %get3A_557, %get3A_553 : vector<16xi32>
      %swap3A_559 = arith.index_cast %rem3A_89 : i32 to index
      %swap3A_560 = arith.constant 536 : index
      %swap3A_561 = tpu.vector_load %arg7[%swap3A_559, %swap3A_560] {strides = array<i32>} : memref<2x1040xi32, #tpu.memory_space<vmem>>, vector<1x16xi32>,
      %swap3A_562 = vector.shape_cast %swap3A_561 : vector<1x16xi32> to vector<16xi32>
      %swap3A_563 = vector.shape_cast %add3A_558 : vector<16xi32> to vector<1x16xi32>
      tpu.vector_store %arg7[%swap3A_559, %swap3A_560], %swap3A_563 {strides = array<i32>} : memref<2x1040xi32, #tpu.memory_space<vmem>>, vector<1x16xi32>,
      %get3A_564 = arith.constant 32 : index
      %get3A_565 = tpu.vector_load %arg9[%get3A_564] {strides = array<i32>} : memref<520xi32, #tpu.memory_space<vmem>>, vector<16xi32>,
      %get3A_566 = vector.shape_cast %get3A_565 : vector<16xi32> to vector<16xi32>
      %get3A_567 = arith.index_cast %rem3A_89 : i32 to index
      %get3A_568 = arith.constant 552 : index
      %get3A_569 = tpu.vector_load %arg6[%get3A_567, %get3A_568] {strides = array<i32>} : memref<2x1040xi32, #tpu.memory_space<vmem>>, vector<1x16xi32>,
      %get3A_570 = vector.shape_cast %get3A_569 : vector<1x16xi32> to vector<16xi32>
      %add3A_571 = arith.addi %get3A_570, %get3A_566 : vector<16xi32>
      %swap3A_572 = arith.index_cast %rem3A_89 : i32 to index
      %swap3A_573 = arith.constant 552 : index
      %swap3A_574 = tpu.vector_load %arg7[%swap3A_572, %swap3A_573] {strides = array<i32>} : memref<2x1040xi32, #tpu.memory_space<vmem>>, vector<1x16xi32>,
      %swap3A_575 = vector.shape_cast %swap3A_574 : vector<1x16xi32> to vector<16xi32>
      %swap3A_576 = vector.shape_cast %add3A_571 : vector<16xi32> to vector<1x16xi32>
      tpu.vector_store %arg7[%swap3A_572, %swap3A_573], %swap3A_576 {strides = array<i32>} : memref<2x1040xi32, #tpu.memory_space<vmem>>, vector<1x16xi32>,
      %get3A_577 = arith.constant 48 : index
      %get3A_578 = tpu.vector_load %arg9[%get3A_577] {strides = array<i32>} : memref<520xi32, #tpu.memory_space<vmem>>, vector<16xi32>,
      %get3A_579 = vector.shape_cast %get3A_578 : vector<16xi32> to vector<16xi32>
      %get3A_580 = arith.index_cast %rem3A_89 : i32 to index
      %get3A_581 = arith.constant 568 : index
      %get3A_582 = tpu.vector_load %arg6[%get3A_580, %get3A_581] {strides = array<i32>} : memref<2x1040xi32, #tpu.memory_space<vmem>>, vector<1x16xi32>,
      %get3A_583 = vector.shape_cast %get3A_582 : vector<1x16xi32> to vector<16xi32>
      %add3A_584 = arith.addi %get3A_583, %get3A_579 : vector<16xi32>
      %swap3A_585 = arith.index_cast %rem3A_89 : i32 to index
      %swap3A_586 = arith.constant 568 : index
      %swap3A_587 = tpu.vector_load %arg7[%swap3A_585, %swap3A_586] {strides = array<i32>} : memref<2x1040xi32, #tpu.memory_space<vmem>>, vector<1x16xi32>,
      %swap3A_588 = vector.shape_cast %swap3A_587 : vector<1x16xi32> to vector<16xi32>
      %swap3A_589 = vector.shape_cast %add3A_584 : vector<16xi32> to vector<1x16xi32>
      tpu.vector_store %arg7[%swap3A_585, %swap3A_586], %swap3A_589 {strides = array<i32>} : memref<2x1040xi32, #tpu.memory_space<vmem>>, vector<1x16xi32>,
      %get3A_590 = arith.constant 64 : index
      %get3A_591 = tpu.vector_load %arg9[%get3A_590] {strides = array<i32>} : memref<520xi32, #tpu.memory_space<vmem>>, vector<16xi32>,
      %get3A_592 = vector.shape_cast %get3A_591 : vector<16xi32> to vector<16xi32>
      %get3A_593 = arith.index_cast %rem3A_89 : i32 to index
      %get3A_594 = arith.constant 584 : index
      %get3A_595 = tpu.vector_load %arg6[%get3A_593, %get3A_594] {strides = array<i32>} : memref<2x1040xi32, #tpu.memory_space<vmem>>, vector<1x16xi32>,
      %get3A_596 = vector.shape_cast %get3A_595 : vector<1x16xi32> to vector<16xi32>
      %add3A_597 = arith.addi %get3A_596, %get3A_592 : vector<16xi32>
      %swap3A_598 = arith.index_cast %rem3A_89 : i32 to index
      %swap3A_599 = arith.constant 584 : index
      %swap3A_600 = tpu.vector_load %arg7[%swap3A_598, %swap3A_599] {strides = array<i32>} : memref<2x1040xi32, #tpu.memory_space<vmem>>, vector<1x16xi32>,
      %swap3A_601 = vector.shape_cast %swap3A_600 : vector<1x16xi32> to vector<16xi32>
      %swap3A_602 = vector.shape_cast %add3A_597 : vector<16xi32> to vector<1x16xi32>
      tpu.vector_store %arg7[%swap3A_598, %swap3A_599], %swap3A_602 {strides = array<i32>} : memref<2x1040xi32, #tpu.memory_space<vmem>>, vector<1x16xi32>,
      %get3A_603 = arith.constant 80 : index
      %get3A_604 = tpu.vector_load %arg9[%get3A_603] {strides = array<i32>} : memref<520xi32, #tpu.memory_space<vmem>>, vector<16xi32>,
      %get3A_605 = vector.shape_cast %get3A_604 : vector<16xi32> to vector<16xi32>
      %get3A_606 = arith.index_cast %rem3A_89 : i32 to index
      %get3A_607 = arith.constant 600 : index
      %get3A_608 = tpu.vector_load %arg6[%get3A_606, %get3A_607] {strides = array<i32>} : memref<2x1040xi32, #tpu.memory_space<vmem>>, vector<1x16xi32>,
      %get3A_609 = vector.shape_cast %get3A_608 : vector<1x16xi32> to vector<16xi32>
      %add3A_610 = arith.addi %get3A_609, %get3A_605 : vector<16xi32>
      %swap3A_611 = arith.index_cast %rem3A_89 : i32 to index
      %swap3A_612 = arith.constant 600 : index
      %swap3A_613 = tpu.vector_load %arg7[%swap3A_611, %swap3A_612] {strides = array<i32>} : memref<2x1040xi32, #tpu.memory_space<vmem>>, vector<1x16xi32>,
      %swap3A_614 = vector.shape_cast %swap3A_613 : vector<1x16xi32> to vector<16xi32>
      %swap3A_615 = vector.shape_cast %add3A_610 : vector<16xi32> to vector<1x16xi32>
      tpu.vector_store %arg7[%swap3A_611, %swap3A_612], %swap3A_615 {strides = array<i32>} : memref<2x1040xi32, #tpu.memory_space<vmem>>, vector<1x16xi32>,
      %get3A_616 = arith.constant 96 : index
      %get3A_617 = tpu.vector_load %arg9[%get3A_616] {strides = array<i32>} : memref<520xi32, #tpu.memory_space<vmem>>, vector<16xi32>,
      %get3A_618 = vector.shape_cast %get3A_617 : vector<16xi32> to vector<16xi32>
      %get3A_619 = arith.index_cast %rem3A_89 : i32 to index
      %get3A_620 = arith.constant 616 : index
      %get3A_621 = tpu.vector_load %arg6[%get3A_619, %get3A_620] {strides = array<i32>} : memref<2x1040xi32, #tpu.memory_space<vmem>>, vector<1x16xi32>,
      %get3A_622 = vector.shape_cast %get3A_621 : vector<1x16xi32> to vector<16xi32>
      %add3A_623 = arith.addi %get3A_622, %get3A_618 : vector<16xi32>
      %swap3A_624 = arith.index_cast %rem3A_89 : i32 to index
      %swap3A_625 = arith.constant 616 : index
      %swap3A_626 = tpu.vector_load %arg7[%swap3A_624, %swap3A_625] {strides = array<i32>} : memref<2x1040xi32, #tpu.memory_space<vmem>>, vector<1x16xi32>,
      %swap3A_627 = vector.shape_cast %swap3A_626 : vector<1x16xi32> to vector<16xi32>
      %swap3A_628 = vector.shape_cast %add3A_623 : vector<16xi32> to vector<1x16xi32>
      tpu.vector_store %arg7[%swap3A_624, %swap3A_625], %swap3A_628 {strides = array<i32>} : memref<2x1040xi32, #tpu.memory_space<vmem>>, vector<1x16xi32>,
      %get3A_629 = arith.constant 112 : index
      %get3A_630 = tpu.vector_load %arg9[%get3A_629] {strides = array<i32>} : memref<520xi32, #tpu.memory_space<vmem>>, vector<16xi32>,
      %get3A_631 = vector.shape_cast %get3A_630 : vector<16xi32> to vector<16xi32>
      %get3A_632 = arith.index_cast %rem3A_89 : i32 to index
      %get3A_633 = arith.constant 632 : index
      %get3A_634 = tpu.vector_load %arg6[%get3A_632, %get3A_633] {strides = array<i32>} : memref<2x1040xi32, #tpu.memory_space<vmem>>, vector<1x16xi32>,
      %get3A_635 = vector.shape_cast %get3A_634 : vector<1x16xi32> to vector<16xi32>
      %add3A_636 = arith.addi %get3A_635, %get3A_631 : vector<16xi32>
      %swap3A_637 = arith.index_cast %rem3A_89 : i32 to index
      %swap3A_638 = arith.constant 632 : index
      %swap3A_639 = tpu.vector_load %arg7[%swap3A_637, %swap3A_638] {strides = array<i32>} : memref<2x1040xi32, #tpu.memory_space<vmem>>, vector<1x16xi32>,
      %swap3A_640 = vector.shape_cast %swap3A_639 : vector<1x16xi32> to vector<16xi32>
      %swap3A_641 = vector.shape_cast %add3A_636 : vector<16xi32> to vector<1x16xi32>
      tpu.vector_store %arg7[%swap3A_637, %swap3A_638], %swap3A_641 {strides = array<i32>} : memref<2x1040xi32, #tpu.memory_space<vmem>>, vector<1x16xi32>,
      %get3A_642 = arith.constant 128 : index
      %get3A_643 = tpu.vector_load %arg9[%get3A_642] {strides = array<i32>} : memref<520xi32, #tpu.memory_space<vmem>>, vector<16xi32>,
      %get3A_644 = vector.shape_cast %get3A_643 : vector<16xi32> to vector<16xi32>
      %get3A_645 = arith.index_cast %rem3A_89 : i32 to index
      %get3A_646 = arith.constant 648 : index
      %get3A_647 = tpu.vector_load %arg6[%get3A_645, %get3A_646] {strides = array<i32>} : memref<2x1040xi32, #tpu.memory_space<vmem>>, vector<1x16xi32>,
      %get3A_648 = vector.shape_cast %get3A_647 : vector<1x16xi32> to vector<16xi32>
      %add3A_649 = arith.addi %get3A_648, %get3A_644 : vector<16xi32>
      %swap3A_650 = arith.index_cast %rem3A_89 : i32 to index
      %swap3A_651 = arith.constant 648 : index
      %swap3A_652 = tpu.vector_load %arg7[%swap3A_650, %swap3A_651] {strides = array<i32>} : memref<2x1040xi32, #tpu.memory_space<vmem>>, vector<1x16xi32>,
      %swap3A_653 = vector.shape_cast %swap3A_652 : vector<1x16xi32> to vector<16xi32>
      %swap3A_654 = vector.shape_cast %add3A_649 : vector<16xi32> to vector<1x16xi32>
      tpu.vector_store %arg7[%swap3A_650, %swap3A_651], %swap3A_654 {strides = array<i32>} : memref<2x1040xi32, #tpu.memory_space<vmem>>, vector<1x16xi32>,
      %get3A_655 = arith.constant 144 : index
      %get3A_656 = tpu.vector_load %arg9[%get3A_655] {strides = array<i32>} : memref<520xi32, #tpu.memory_space<vmem>>, vector<16xi32>,
      %get3A_657 = vector.shape_cast %get3A_656 : vector<16xi32> to vector<16xi32>
      %get3A_658 = arith.index_cast %rem3A_89 : i32 to index
      %get3A_659 = arith.constant 664 : index
      %get3A_660 = tpu.vector_load %arg6[%get3A_658, %get3A_659] {strides = array<i32>} : memref<2x1040xi32, #tpu.memory_space<vmem>>, vector<1x16xi32>,
      %get3A_661 = vector.shape_cast %get3A_660 : vector<1x16xi32> to vector<16xi32>
      %add3A_662 = arith.addi %get3A_661, %get3A_657 : vector<16xi32>
      %swap3A_663 = arith.index_cast %rem3A_89 : i32 to index
      %swap3A_664 = arith.constant 664 : index
      %swap3A_665 = tpu.vector_load %arg7[%swap3A_663, %swap3A_664] {strides = array<i32>} : memref<2x1040xi32, #tpu.memory_space<vmem>>, vector<1x16xi32>,
      %swap3A_666 = vector.shape_cast %swap3A_665 : vector<1x16xi32> to vector<16xi32>
      %swap3A_667 = vector.shape_cast %add3A_662 : vector<16xi32> to vector<1x16xi32>
      tpu.vector_store %arg7[%swap3A_663, %swap3A_664], %swap3A_667 {strides = array<i32>} : memref<2x1040xi32, #tpu.memory_space<vmem>>, vector<1x16xi32>,
      %get3A_668 = arith.constant 160 : index
      %get3A_669 = tpu.vector_load %arg9[%get3A_668] {strides = array<i32>} : memref<520xi32, #tpu.memory_space<vmem>>, vector<16xi32>,
      %get3A_670 = vector.shape_cast %get3A_669 : vector<16xi32> to vector<16xi32>
      %get3A_671 = arith.index_cast %rem3A_89 : i32 to index
      %get3A_672 = arith.constant 680 : index
      %get3A_673 = tpu.vector_load %arg6[%get3A_671, %get3A_672] {strides = array<i32>} : memref<2x1040xi32, #tpu.memory_space<vmem>>, vector<1x16xi32>,
      %get3A_674 = vector.shape_cast %get3A_673 : vector<1x16xi32> to vector<16xi32>
      %add3A_675 = arith.addi %get3A_674, %get3A_670 : vector<16xi32>
      %swap3A_676 = arith.index_cast %rem3A_89 : i32 to index
      %swap3A_677 = arith.constant 680 : index
      %swap3A_678 = tpu.vector_load %arg7[%swap3A_676, %swap3A_677] {strides = array<i32>} : memref<2x1040xi32, #tpu.memory_space<vmem>>, vector<1x16xi32>,
      %swap3A_679 = vector.shape_cast %swap3A_678 : vector<1x16xi32> to vector<16xi32>
      %swap3A_680 = vector.shape_cast %add3A_675 : vector<16xi32> to vector<1x16xi32>
      tpu.vector_store %arg7[%swap3A_676, %swap3A_677], %swap3A_680 {strides = array<i32>} : memref<2x1040xi32, #tpu.memory_space<vmem>>, vector<1x16xi32>,
      %get3A_681 = arith.constant 176 : index
      %get3A_682 = tpu.vector_load %arg9[%get3A_681] {strides = array<i32>} : memref<520xi32, #tpu.memory_space<vmem>>, vector<16xi32>,
      %get3A_683 = vector.shape_cast %get3A_682 : vector<16xi32> to vector<16xi32>
      %get3A_684 = arith.index_cast %rem3A_89 : i32 to index
      %get3A_685 = arith.constant 696 : index
      %get3A_686 = tpu.vector_load %arg6[%get3A_684, %get3A_685] {strides = array<i32>} : memref<2x1040xi32, #tpu.memory_space<vmem>>, vector<1x16xi32>,
      %get3A_687 = vector.shape_cast %get3A_686 : vector<1x16xi32> to vector<16xi32>
      %add3A_688 = arith.addi %get3A_687, %get3A_683 : vector<16xi32>
      %swap3A_689 = arith.index_cast %rem3A_89 : i32 to index
      %swap3A_690 = arith.constant 696 : index
      %swap3A_691 = tpu.vector_load %arg7[%swap3A_689, %swap3A_690] {strides = array<i32>} : memref<2x1040xi32, #tpu.memory_space<vmem>>, vector<1x16xi32>,
      %swap3A_692 = vector.shape_cast %swap3A_691 : vector<1x16xi32> to vector<16xi32>
      %swap3A_693 = vector.shape_cast %add3A_688 : vector<16xi32> to vector<1x16xi32>
      tpu.vector_store %arg7[%swap3A_689, %swap3A_690], %swap3A_693 {strides = array<i32>} : memref<2x1040xi32, #tpu.memory_space<vmem>>, vector<1x16xi32>,
      %get3A_694 = arith.constant 192 : index
      %get3A_695 = tpu.vector_load %arg9[%get3A_694] {strides = array<i32>} : memref<520xi32, #tpu.memory_space<vmem>>, vector<16xi32>,
      %get3A_696 = vector.shape_cast %get3A_695 : vector<16xi32> to vector<16xi32>
      %get3A_697 = arith.index_cast %rem3A_89 : i32 to index
      %get3A_698 = arith.constant 712 : index
      %get3A_699 = tpu.vector_load %arg6[%get3A_697, %get3A_698] {strides = array<i32>} : memref<2x1040xi32, #tpu.memory_space<vmem>>, vector<1x16xi32>,
      %get3A_700 = vector.shape_cast %get3A_699 : vector<1x16xi32> to vector<16xi32>
      %add3A_701 = arith.addi %get3A_700, %get3A_696 : vector<16xi32>
      %swap3A_702 = arith.index_cast %rem3A_89 : i32 to index
      %swap3A_703 = arith.constant 712 : index
      %swap3A_704 = tpu.vector_load %arg7[%swap3A_702, %swap3A_703] {strides = array<i32>} : memref<2x1040xi32, #tpu.memory_space<vmem>>, vector<1x16xi32>,
      %swap3A_705 = vector.shape_cast %swap3A_704 : vector<1x16xi32> to vector<16xi32>
      %swap3A_706 = vector.shape_cast %add3A_701 : vector<16xi32> to vector<1x16xi32>
      tpu.vector_store %arg7[%swap3A_702, %swap3A_703], %swap3A_706 {strides = array<i32>} : memref<2x1040xi32, #tpu.memory_space<vmem>>, vector<1x16xi32>,
      %get3A_707 = arith.constant 208 : index
      %get3A_708 = tpu.vector_load %arg9[%get3A_707] {strides = array<i32>} : memref<520xi32, #tpu.memory_space<vmem>>, vector<16xi32>,
      %get3A_709 = vector.shape_cast %get3A_708 : vector<16xi32> to vector<16xi32>
      %get3A_710 = arith.index_cast %rem3A_89 : i32 to index
      %get3A_711 = arith.constant 728 : index
      %get3A_712 = tpu.vector_load %arg6[%get3A_710, %get3A_711] {strides = array<i32>} : memref<2x1040xi32, #tpu.memory_space<vmem>>, vector<1x16xi32>,
      %get3A_713 = vector.shape_cast %get3A_712 : vector<1x16xi32> to vector<16xi32>
      %add3A_714 = arith.addi %get3A_713, %get3A_709 : vector<16xi32>
      %swap3A_715 = arith.index_cast %rem3A_89 : i32 to index
      %swap3A_716 = arith.constant 728 : index
      %swap3A_717 = tpu.vector_load %arg7[%swap3A_715, %swap3A_716] {strides = array<i32>} : memref<2x1040xi32, #tpu.memory_space<vmem>>, vector<1x16xi32>,
      %swap3A_718 = vector.shape_cast %swap3A_717 : vector<1x16xi32> to vector<16xi32>
      %swap3A_719 = vector.shape_cast %add3A_714 : vector<16xi32> to vector<1x16xi32>
      tpu.vector_store %arg7[%swap3A_715, %swap3A_716], %swap3A_719 {strides = array<i32>} : memref<2x1040xi32, #tpu.memory_space<vmem>>, vector<1x16xi32>,
      %get3A_720 = arith.constant 224 : index
      %get3A_721 = tpu.vector_load %arg9[%get3A_720] {strides = array<i32>} : memref<520xi32, #tpu.memory_space<vmem>>, vector<16xi32>,
      %get3A_722 = vector.shape_cast %get3A_721 : vector<16xi32> to vector<16xi32>
      %get3A_723 = arith.index_cast %rem3A_89 : i32 to index
      %get3A_724 = arith.constant 744 : index
      %get3A_725 = tpu.vector_load %arg6[%get3A_723, %get3A_724] {strides = array<i32>} : memref<2x1040xi32, #tpu.memory_space<vmem>>, vector<1x16xi32>,
      %get3A_726 = vector.shape_cast %get3A_725 : vector<1x16xi32> to vector<16xi32>
      %add3A_727 = arith.addi %get3A_726, %get3A_722 : vector<16xi32>
      %swap3A_728 = arith.index_cast %rem3A_89 : i32 to index
      %swap3A_729 = arith.constant 744 : index
      %swap3A_730 = tpu.vector_load %arg7[%swap3A_728, %swap3A_729] {strides = array<i32>} : memref<2x1040xi32, #tpu.memory_space<vmem>>, vector<1x16xi32>,
      %swap3A_731 = vector.shape_cast %swap3A_730 : vector<1x16xi32> to vector<16xi32>
      %swap3A_732 = vector.shape_cast %add3A_727 : vector<16xi32> to vector<1x16xi32>
      tpu.vector_store %arg7[%swap3A_728, %swap3A_729], %swap3A_732 {strides = array<i32>} : memref<2x1040xi32, #tpu.memory_space<vmem>>, vector<1x16xi32>,
      %get3A_733 = arith.constant 240 : index
      %get3A_734 = tpu.vector_load %arg9[%get3A_733] {strides = array<i32>} : memref<520xi32, #tpu.memory_space<vmem>>, vector<16xi32>,
      %get3A_735 = vector.shape_cast %get3A_734 : vector<16xi32> to vector<16xi32>
      %get3A_736 = arith.index_cast %rem3A_89 : i32 to index
      %get3A_737 = arith.constant 760 : index
      %get3A_738 = tpu.vector_load %arg6[%get3A_736, %get3A_737] {strides = array<i32>} : memref<2x1040xi32, #tpu.memory_space<vmem>>, vector<1x16xi32>,
      %get3A_739 = vector.shape_cast %get3A_738 : vector<1x16xi32> to vector<16xi32>
      %add3A_740 = arith.addi %get3A_739, %get3A_735 : vector<16xi32>
      %swap3A_741 = arith.index_cast %rem3A_89 : i32 to index
      %swap3A_742 = arith.constant 760 : index
      %swap3A_743 = tpu.vector_load %arg7[%swap3A_741, %swap3A_742] {strides = array<i32>} : memref<2x1040xi32, #tpu.memory_space<vmem>>, vector<1x16xi32>,
      %swap3A_744 = vector.shape_cast %swap3A_743 : vector<1x16xi32> to vector<16xi32>
      %swap3A_745 = vector.shape_cast %add3A_740 : vector<16xi32> to vector<1x16xi32>
      tpu.vector_store %arg7[%swap3A_741, %swap3A_742], %swap3A_745 {strides = array<i32>} : memref<2x1040xi32, #tpu.memory_space<vmem>>, vector<1x16xi32>,
      %get3A_746 = arith.constant 256 : index
      %get3A_747 = tpu.vector_load %arg9[%get3A_746] {strides = array<i32>} : memref<520xi32, #tpu.memory_space<vmem>>, vector<16xi32>,
      %get3A_748 = vector.shape_cast %get3A_747 : vector<16xi32> to vector<16xi32>
      %get3A_749 = arith.index_cast %rem3A_89 : i32 to index
      %get3A_750 = arith.constant 776 : index
      %get3A_751 = tpu.vector_load %arg6[%get3A_749, %get3A_750] {strides = array<i32>} : memref<2x1040xi32, #tpu.memory_space<vmem>>, vector<1x16xi32>,
      %get3A_752 = vector.shape_cast %get3A_751 : vector<1x16xi32> to vector<16xi32>
      %add3A_753 = arith.addi %get3A_752, %get3A_748 : vector<16xi32>
      %swap3A_754 = arith.index_cast %rem3A_89 : i32 to index
      %swap3A_755 = arith.constant 776 : index
      %swap3A_756 = tpu.vector_load %arg7[%swap3A_754, %swap3A_755] {strides = array<i32>} : memref<2x1040xi32, #tpu.memory_space<vmem>>, vector<1x16xi32>,
      %swap3A_757 = vector.shape_cast %swap3A_756 : vector<1x16xi32> to vector<16xi32>
      %swap3A_758 = vector.shape_cast %add3A_753 : vector<16xi32> to vector<1x16xi32>
      tpu.vector_store %arg7[%swap3A_754, %swap3A_755], %swap3A_758 {strides = array<i32>} : memref<2x1040xi32, #tpu.memory_space<vmem>>, vector<1x16xi32>,
      %get3A_759 = arith.constant 272 : index
      %get3A_760 = tpu.vector_load %arg9[%get3A_759] {strides = array<i32>} : memref<520xi32, #tpu.memory_space<vmem>>, vector<16xi32>,
      %get3A_761 = vector.shape_cast %get3A_760 : vector<16xi32> to vector<16xi32>
      %get3A_762 = arith.index_cast %rem3A_89 : i32 to index
      %get3A_763 = arith.constant 792 : index
      %get3A_764 = tpu.vector_load %arg6[%get3A_762, %get3A_763] {strides = array<i32>} : memref<2x1040xi32, #tpu.memory_space<vmem>>, vector<1x16xi32>,
      %get3A_765 = vector.shape_cast %get3A_764 : vector<1x16xi32> to vector<16xi32>
      %add3A_766 = arith.addi %get3A_765, %get3A_761 : vector<16xi32>
      %swap3A_767 = arith.index_cast %rem3A_89 : i32 to index
      %swap3A_768 = arith.constant 792 : index
      %swap3A_769 = tpu.vector_load %arg7[%swap3A_767, %swap3A_768] {strides = array<i32>} : memref<2x1040xi32, #tpu.memory_space<vmem>>, vector<1x16xi32>,
      %swap3A_770 = vector.shape_cast %swap3A_769 : vector<1x16xi32> to vector<16xi32>
      %swap3A_771 = vector.shape_cast %add3A_766 : vector<16xi32> to vector<1x16xi32>
      tpu.vector_store %arg7[%swap3A_767, %swap3A_768], %swap3A_771 {strides = array<i32>} : memref<2x1040xi32, #tpu.memory_space<vmem>>, vector<1x16xi32>,
      %get3A_772 = arith.constant 288 : index
      %get3A_773 = tpu.vector_load %arg9[%get3A_772] {strides = array<i32>} : memref<520xi32, #tpu.memory_space<vmem>>, vector<16xi32>,
      %get3A_774 = vector.shape_cast %get3A_773 : vector<16xi32> to vector<16xi32>
      %get3A_775 = arith.index_cast %rem3A_89 : i32 to index
      %get3A_776 = arith.constant 808 : index
      %get3A_777 = tpu.vector_load %arg6[%get3A_775, %get3A_776] {strides = array<i32>} : memref<2x1040xi32, #tpu.memory_space<vmem>>, vector<1x16xi32>,
      %get3A_778 = vector.shape_cast %get3A_777 : vector<1x16xi32> to vector<16xi32>
      %add3A_779 = arith.addi %get3A_778, %get3A_774 : vector<16xi32>
      %swap3A_780 = arith.index_cast %rem3A_89 : i32 to index
      %swap3A_781 = arith.constant 808 : index
      %swap3A_782 = tpu.vector_load %arg7[%swap3A_780, %swap3A_781] {strides = array<i32>} : memref<2x1040xi32, #tpu.memory_space<vmem>>, vector<1x16xi32>,
      %swap3A_783 = vector.shape_cast %swap3A_782 : vector<1x16xi32> to vector<16xi32>
      %swap3A_784 = vector.shape_cast %add3A_779 : vector<16xi32> to vector<1x16xi32>
      tpu.vector_store %arg7[%swap3A_780, %swap3A_781], %swap3A_784 {strides = array<i32>} : memref<2x1040xi32, #tpu.memory_space<vmem>>, vector<1x16xi32>,
      %get3A_785 = arith.constant 304 : index
      %get3A_786 = tpu.vector_load %arg9[%get3A_785] {strides = array<i32>} : memref<520xi32, #tpu.memory_space<vmem>>, vector<16xi32>,
      %get3A_787 = vector.shape_cast %get3A_786 : vector<16xi32> to vector<16xi32>
      %get3A_788 = arith.index_cast %rem3A_89 : i32 to index
      %get3A_789 = arith.constant 824 : index
      %get3A_790 = tpu.vector_load %arg6[%get3A_788, %get3A_789] {strides = array<i32>} : memref<2x1040xi32, #tpu.memory_space<vmem>>, vector<1x16xi32>,
      %get3A_791 = vector.shape_cast %get3A_790 : vector<1x16xi32> to vector<16xi32>
      %add3A_792 = arith.addi %get3A_791, %get3A_787 : vector<16xi32>
      %swap3A_793 = arith.index_cast %rem3A_89 : i32 to index
      %swap3A_794 = arith.constant 824 : index
      %swap3A_795 = tpu.vector_load %arg7[%swap3A_793, %swap3A_794] {strides = array<i32>} : memref<2x1040xi32, #tpu.memory_space<vmem>>, vector<1x16xi32>,
      %swap3A_796 = vector.shape_cast %swap3A_795 : vector<1x16xi32> to vector<16xi32>
      %swap3A_797 = vector.shape_cast %add3A_792 : vector<16xi32> to vector<1x16xi32>
      tpu.vector_store %arg7[%swap3A_793, %swap3A_794], %swap3A_797 {strides = array<i32>} : memref<2x1040xi32, #tpu.memory_space<vmem>>, vector<1x16xi32>,
      %get3A_798 = arith.constant 320 : index
      %get3A_799 = tpu.vector_load %arg9[%get3A_798] {strides = array<i32>} : memref<520xi32, #tpu.memory_space<vmem>>, vector<16xi32>,
      %get3A_800 = vector.shape_cast %get3A_799 : vector<16xi32> to vector<16xi32>
      %get3A_801 = arith.index_cast %rem3A_89 : i32 to index
      %get3A_802 = arith.constant 840 : index
      %get3A_803 = tpu.vector_load %arg6[%get3A_801, %get3A_802] {strides = array<i32>} : memref<2x1040xi32, #tpu.memory_space<vmem>>, vector<1x16xi32>,
      %get3A_804 = vector.shape_cast %get3A_803 : vector<1x16xi32> to vector<16xi32>
      %add3A_805 = arith.addi %get3A_804, %get3A_800 : vector<16xi32>
      %swap3A_806 = arith.index_cast %rem3A_89 : i32 to index
      %swap3A_807 = arith.constant 840 : index
      %swap3A_808 = tpu.vector_load %arg7[%swap3A_806, %swap3A_807] {strides = array<i32>} : memref<2x1040xi32, #tpu.memory_space<vmem>>, vector<1x16xi32>,
      %swap3A_809 = vector.shape_cast %swap3A_808 : vector<1x16xi32> to vector<16xi32>
      %swap3A_810 = vector.shape_cast %add3A_805 : vector<16xi32> to vector<1x16xi32>
      tpu.vector_store %arg7[%swap3A_806, %swap3A_807], %swap3A_810 {strides = array<i32>} : memref<2x1040xi32, #tpu.memory_space<vmem>>, vector<1x16xi32>,
      %get3A_811 = arith.constant 336 : index
      %get3A_812 = tpu.vector_load %arg9[%get3A_811] {strides = array<i32>} : memref<520xi32, #tpu.memory_space<vmem>>, vector<16xi32>,
      %get3A_813 = vector.shape_cast %get3A_812 : vector<16xi32> to vector<16xi32>
      %get3A_814 = arith.index_cast %rem3A_89 : i32 to index
      %get3A_815 = arith.constant 856 : index
      %get3A_816 = tpu.vector_load %arg6[%get3A_814, %get3A_815] {strides = array<i32>} : memref<2x1040xi32, #tpu.memory_space<vmem>>, vector<1x16xi32>,
      %get3A_817 = vector.shape_cast %get3A_816 : vector<1x16xi32> to vector<16xi32>
      %add3A_818 = arith.addi %get3A_817, %get3A_813 : vector<16xi32>
      %swap3A_819 = arith.index_cast %rem3A_89 : i32 to index
      %swap3A_820 = arith.constant 856 : index
      %swap3A_821 = tpu.vector_load %arg7[%swap3A_819, %swap3A_820] {strides = array<i32>} : memref<2x1040xi32, #tpu.memory_space<vmem>>, vector<1x16xi32>,
      %swap3A_822 = vector.shape_cast %swap3A_821 : vector<1x16xi32> to vector<16xi32>
      %swap3A_823 = vector.shape_cast %add3A_818 : vector<16xi32> to vector<1x16xi32>
      tpu.vector_store %arg7[%swap3A_819, %swap3A_820], %swap3A_823 {strides = array<i32>} : memref<2x1040xi32, #tpu.memory_space<vmem>>, vector<1x16xi32>,
      %get3A_824 = arith.constant 352 : index
      %get3A_825 = tpu.vector_load %arg9[%get3A_824] {strides = array<i32>} : memref<520xi32, #tpu.memory_space<vmem>>, vector<16xi32>,
      %get3A_826 = vector.shape_cast %get3A_825 : vector<16xi32> to vector<16xi32>
      %get3A_827 = arith.index_cast %rem3A_89 : i32 to index
      %get3A_828 = arith.constant 872 : index
      %get3A_829 = tpu.vector_load %arg6[%get3A_827, %get3A_828] {strides = array<i32>} : memref<2x1040xi32, #tpu.memory_space<vmem>>, vector<1x16xi32>,
      %get3A_830 = vector.shape_cast %get3A_829 : vector<1x16xi32> to vector<16xi32>
      %add3A_831 = arith.addi %get3A_830, %get3A_826 : vector<16xi32>
      %swap3A_832 = arith.index_cast %rem3A_89 : i32 to index
      %swap3A_833 = arith.constant 872 : index
      %swap3A_834 = tpu.vector_load %arg7[%swap3A_832, %swap3A_833] {strides = array<i32>} : memref<2x1040xi32, #tpu.memory_space<vmem>>, vector<1x16xi32>,
      %swap3A_835 = vector.shape_cast %swap3A_834 : vector<1x16xi32> to vector<16xi32>
      %swap3A_836 = vector.shape_cast %add3A_831 : vector<16xi32> to vector<1x16xi32>
      tpu.vector_store %arg7[%swap3A_832, %swap3A_833], %swap3A_836 {strides = array<i32>} : memref<2x1040xi32, #tpu.memory_space<vmem>>, vector<1x16xi32>,
      %get3A_837 = arith.constant 368 : index
      %get3A_838 = tpu.vector_load %arg9[%get3A_837] {strides = array<i32>} : memref<520xi32, #tpu.memory_space<vmem>>, vector<16xi32>,
      %get3A_839 = vector.shape_cast %get3A_838 : vector<16xi32> to vector<16xi32>
      %get3A_840 = arith.index_cast %rem3A_89 : i32 to index
      %get3A_841 = arith.constant 888 : index
      %get3A_842 = tpu.vector_load %arg6[%get3A_840, %get3A_841] {strides = array<i32>} : memref<2x1040xi32, #tpu.memory_space<vmem>>, vector<1x16xi32>,
      %get3A_843 = vector.shape_cast %get3A_842 : vector<1x16xi32> to vector<16xi32>
      %add3A_844 = arith.addi %get3A_843, %get3A_839 : vector<16xi32>
      %swap3A_845 = arith.index_cast %rem3A_89 : i32 to index
      %swap3A_846 = arith.constant 888 : index
      %swap3A_847 = tpu.vector_load %arg7[%swap3A_845, %swap3A_846] {strides = array<i32>} : memref<2x1040xi32, #tpu.memory_space<vmem>>, vector<1x16xi32>,
      %swap3A_848 = vector.shape_cast %swap3A_847 : vector<1x16xi32> to vector<16xi32>
      %swap3A_849 = vector.shape_cast %add3A_844 : vector<16xi32> to vector<1x16xi32>
      tpu.vector_store %arg7[%swap3A_845, %swap3A_846], %swap3A_849 {strides = array<i32>} : memref<2x1040xi32, #tpu.memory_space<vmem>>, vector<1x16xi32>,
      %get3A_850 = arith.constant 384 : index
      %get3A_851 = tpu.vector_load %arg9[%get3A_850] {strides = array<i32>} : memref<520xi32, #tpu.memory_space<vmem>>, vector<16xi32>,
      %get3A_852 = vector.shape_cast %get3A_851 : vector<16xi32> to vector<16xi32>
      %get3A_853 = arith.index_cast %rem3A_89 : i32 to index
      %get3A_854 = arith.constant 904 : index
      %get3A_855 = tpu.vector_load %arg6[%get3A_853, %get3A_854] {strides = array<i32>} : memref<2x1040xi32, #tpu.memory_space<vmem>>, vector<1x16xi32>,
      %get3A_856 = vector.shape_cast %get3A_855 : vector<1x16xi32> to vector<16xi32>
      %add3A_857 = arith.addi %get3A_856, %get3A_852 : vector<16xi32>
      %swap3A_858 = arith.index_cast %rem3A_89 : i32 to index
      %swap3A_859 = arith.constant 904 : index
      %swap3A_860 = tpu.vector_load %arg7[%swap3A_858, %swap3A_859] {strides = array<i32>} : memref<2x1040xi32, #tpu.memory_space<vmem>>, vector<1x16xi32>,
      %swap3A_861 = vector.shape_cast %swap3A_860 : vector<1x16xi32> to vector<16xi32>
      %swap3A_862 = vector.shape_cast %add3A_857 : vector<16xi32> to vector<1x16xi32>
      tpu.vector_store %arg7[%swap3A_858, %swap3A_859], %swap3A_862 {strides = array<i32>} : memref<2x1040xi32, #tpu.memory_space<vmem>>, vector<1x16xi32>,
      %get3A_863 = arith.constant 400 : index
      %get3A_864 = tpu.vector_load %arg9[%get3A_863] {strides = array<i32>} : memref<520xi32, #tpu.memory_space<vmem>>, vector<16xi32>,
      %get3A_865 = vector.shape_cast %get3A_864 : vector<16xi32> to vector<16xi32>
      %get3A_866 = arith.index_cast %rem3A_89 : i32 to index
      %get3A_867 = arith.constant 920 : index
      %get3A_868 = tpu.vector_load %arg6[%get3A_866, %get3A_867] {strides = array<i32>} : memref<2x1040xi32, #tpu.memory_space<vmem>>, vector<1x16xi32>,
      %get3A_869 = vector.shape_cast %get3A_868 : vector<1x16xi32> to vector<16xi32>
      %add3A_870 = arith.addi %get3A_869, %get3A_865 : vector<16xi32>
      %swap3A_871 = arith.index_cast %rem3A_89 : i32 to index
      %swap3A_872 = arith.constant 920 : index
      %swap3A_873 = tpu.vector_load %arg7[%swap3A_871, %swap3A_872] {strides = array<i32>} : memref<2x1040xi32, #tpu.memory_space<vmem>>, vector<1x16xi32>,
      %swap3A_874 = vector.shape_cast %swap3A_873 : vector<1x16xi32> to vector<16xi32>
      %swap3A_875 = vector.shape_cast %add3A_870 : vector<16xi32> to vector<1x16xi32>
      tpu.vector_store %arg7[%swap3A_871, %swap3A_872], %swap3A_875 {strides = array<i32>} : memref<2x1040xi32, #tpu.memory_space<vmem>>, vector<1x16xi32>,
      %get3A_876 = arith.constant 416 : index
      %get3A_877 = tpu.vector_load %arg9[%get3A_876] {strides = array<i32>} : memref<520xi32, #tpu.memory_space<vmem>>, vector<16xi32>,
      %get3A_878 = vector.shape_cast %get3A_877 : vector<16xi32> to vector<16xi32>
      %get3A_879 = arith.index_cast %rem3A_89 : i32 to index
      %get3A_880 = arith.constant 936 : index
      %get3A_881 = tpu.vector_load %arg6[%get3A_879, %get3A_880] {strides = array<i32>} : memref<2x1040xi32, #tpu.memory_space<vmem>>, vector<1x16xi32>,
      %get3A_882 = vector.shape_cast %get3A_881 : vector<1x16xi32> to vector<16xi32>
      %add3A_883 = arith.addi %get3A_882, %get3A_878 : vector<16xi32>
      %swap3A_884 = arith.index_cast %rem3A_89 : i32 to index
      %swap3A_885 = arith.constant 936 : index
      %swap3A_886 = tpu.vector_load %arg7[%swap3A_884, %swap3A_885] {strides = array<i32>} : memref<2x1040xi32, #tpu.memory_space<vmem>>, vector<1x16xi32>,
      %swap3A_887 = vector.shape_cast %swap3A_886 : vector<1x16xi32> to vector<16xi32>
      %swap3A_888 = vector.shape_cast %add3A_883 : vector<16xi32> to vector<1x16xi32>
      tpu.vector_store %arg7[%swap3A_884, %swap3A_885], %swap3A_888 {strides = array<i32>} : memref<2x1040xi32, #tpu.memory_space<vmem>>, vector<1x16xi32>,
      %get3A_889 = arith.constant 432 : index
      %get3A_890 = tpu.vector_load %arg9[%get3A_889] {strides = array<i32>} : memref<520xi32, #tpu.memory_space<vmem>>, vector<16xi32>,
      %get3A_891 = vector.shape_cast %get3A_890 : vector<16xi32> to vector<16xi32>
      %get3A_892 = arith.index_cast %rem3A_89 : i32 to index
      %get3A_893 = arith.constant 952 : index
      %get3A_894 = tpu.vector_load %arg6[%get3A_892, %get3A_893] {strides = array<i32>} : memref<2x1040xi32, #tpu.memory_space<vmem>>, vector<1x16xi32>,
      %get3A_895 = vector.shape_cast %get3A_894 : vector<1x16xi32> to vector<16xi32>
      %add3A_896 = arith.addi %get3A_895, %get3A_891 : vector<16xi32>
      %swap3A_897 = arith.index_cast %rem3A_89 : i32 to index
      %swap3A_898 = arith.constant 952 : index
      %swap3A_899 = tpu.vector_load %arg7[%swap3A_897, %swap3A_898] {strides = array<i32>} : memref<2x1040xi32, #tpu.memory_space<vmem>>, vector<1x16xi32>,
      %swap3A_900 = vector.shape_cast %swap3A_899 : vector<1x16xi32> to vector<16xi32>
      %swap3A_901 = vector.shape_cast %add3A_896 : vector<16xi32> to vector<1x16xi32>
      tpu.vector_store %arg7[%swap3A_897, %swap3A_898], %swap3A_901 {strides = array<i32>} : memref<2x1040xi32, #tpu.memory_space<vmem>>, vector<1x16xi32>,
      %get3A_902 = arith.constant 448 : index
      %get3A_903 = tpu.vector_load %arg9[%get3A_902] {strides = array<i32>} : memref<520xi32, #tpu.memory_space<vmem>>, vector<16xi32>,
      %get3A_904 = vector.shape_cast %get3A_903 : vector<16xi32> to vector<16xi32>
      %get3A_905 = arith.index_cast %rem3A_89 : i32 to index
      %get3A_906 = arith.constant 968 : index
      %get3A_907 = tpu.vector_load %arg6[%get3A_905, %get3A_906] {strides = array<i32>} : memref<2x1040xi32, #tpu.memory_space<vmem>>, vector<1x16xi32>,
      %get3A_908 = vector.shape_cast %get3A_907 : vector<1x16xi32> to vector<16xi32>
      %add3A_909 = arith.addi %get3A_908, %get3A_904 : vector<16xi32>
      %swap3A_910 = arith.index_cast %rem3A_89 : i32 to index
      %swap3A_911 = arith.constant 968 : index
      %swap3A_912 = tpu.vector_load %arg7[%swap3A_910, %swap3A_911] {strides = array<i32>} : memref<2x1040xi32, #tpu.memory_space<vmem>>, vector<1x16xi32>,
      %swap3A_913 = vector.shape_cast %swap3A_912 : vector<1x16xi32> to vector<16xi32>
      %swap3A_914 = vector.shape_cast %add3A_909 : vector<16xi32> to vector<1x16xi32>
      tpu.vector_store %arg7[%swap3A_910, %swap3A_911], %swap3A_914 {strides = array<i32>} : memref<2x1040xi32, #tpu.memory_space<vmem>>, vector<1x16xi32>,
      %get3A_915 = arith.constant 464 : index
      %get3A_916 = tpu.vector_load %arg9[%get3A_915] {strides = array<i32>} : memref<520xi32, #tpu.memory_space<vmem>>, vector<16xi32>,
      %get3A_917 = vector.shape_cast %get3A_916 : vector<16xi32> to vector<16xi32>
      %get3A_918 = arith.index_cast %rem3A_89 : i32 to index
      %get3A_919 = arith.constant 984 : index
      %get3A_920 = tpu.vector_load %arg6[%get3A_918, %get3A_919] {strides = array<i32>} : memref<2x1040xi32, #tpu.memory_space<vmem>>, vector<1x16xi32>,
      %get3A_921 = vector.shape_cast %get3A_920 : vector<1x16xi32> to vector<16xi32>
      %add3A_922 = arith.addi %get3A_921, %get3A_917 : vector<16xi32>
      %swap3A_923 = arith.index_cast %rem3A_89 : i32 to index
      %swap3A_924 = arith.constant 984 : index
      %swap3A_925 = tpu.vector_load %arg7[%swap3A_923, %swap3A_924] {strides = array<i32>} : memref<2x1040xi32, #tpu.memory_space<vmem>>, vector<1x16xi32>,
      %swap3A_926 = vector.shape_cast %swap3A_925 : vector<1x16xi32> to vector<16xi32>
      %swap3A_927 = vector.shape_cast %add3A_922 : vector<16xi32> to vector<1x16xi32>
      tpu.vector_store %arg7[%swap3A_923, %swap3A_924], %swap3A_927 {strides = array<i32>} : memref<2x1040xi32, #tpu.memory_space<vmem>>, vector<1x16xi32>,
      %get3A_928 = arith.constant 480 : index
      %get3A_929 = tpu.vector_load %arg9[%get3A_928] {strides = array<i32>} : memref<520xi32, #tpu.memory_space<vmem>>, vector<16xi32>,
      %get3A_930 = vector.shape_cast %get3A_929 : vector<16xi32> to vector<16xi32>
      %get3A_931 = arith.index_cast %rem3A_89 : i32 to index
      %get3A_932 = arith.constant 1000 : index
      %get3A_933 = tpu.vector_load %arg6[%get3A_931, %get3A_932] {strides = array<i32>} : memref<2x1040xi32, #tpu.memory_space<vmem>>, vector<1x16xi32>,
      %get3A_934 = vector.shape_cast %get3A_933 : vector<1x16xi32> to vector<16xi32>
      %add3A_935 = arith.addi %get3A_934, %get3A_930 : vector<16xi32>
      %swap3A_936 = arith.index_cast %rem3A_89 : i32 to index
      %swap3A_937 = arith.constant 1000 : index
      %swap3A_938 = tpu.vector_load %arg7[%swap3A_936, %swap3A_937] {strides = array<i32>} : memref<2x1040xi32, #tpu.memory_space<vmem>>, vector<1x16xi32>,
      %swap3A_939 = vector.shape_cast %swap3A_938 : vector<1x16xi32> to vector<16xi32>
      %swap3A_940 = vector.shape_cast %add3A_935 : vector<16xi32> to vector<1x16xi32>
      tpu.vector_store %arg7[%swap3A_936, %swap3A_937], %swap3A_940 {strides = array<i32>} : memref<2x1040xi32, #tpu.memory_space<vmem>>, vector<1x16xi32>,
      %get3A_941 = arith.constant 496 : index
      %get3A_942 = tpu.vector_load %arg9[%get3A_941] {strides = array<i32>} : memref<520xi32, #tpu.memory_space<vmem>>, vector<16xi32>,
      %get3A_943 = vector.shape_cast %get3A_942 : vector<16xi32> to vector<16xi32>
      %get3A_944 = arith.index_cast %rem3A_89 : i32 to index
      %get3A_945 = arith.constant 1016 : index
      %get3A_946 = tpu.vector_load %arg6[%get3A_944, %get3A_945] {strides = array<i32>} : memref<2x1040xi32, #tpu.memory_space<vmem>>, vector<1x16xi32>,
      %get3A_947 = vector.shape_cast %get3A_946 : vector<1x16xi32> to vector<16xi32>
      %add3A_948 = arith.addi %get3A_947, %get3A_943 : vector<16xi32>
      %swap3A_949 = arith.index_cast %rem3A_89 : i32 to index
      %swap3A_950 = arith.constant 1016 : index
      %swap3A_951 = tpu.vector_load %arg7[%swap3A_949, %swap3A_950] {strides = array<i32>} : memref<2x1040xi32, #tpu.memory_space<vmem>>, vector<1x16xi32>,
      %swap3A_952 = vector.shape_cast %swap3A_951 : vector<1x16xi32> to vector<16xi32>
      %swap3A_953 = vector.shape_cast %add3A_948 : vector<16xi32> to vector<1x16xi32>
      tpu.vector_store %arg7[%swap3A_949, %swap3A_950], %swap3A_953 {strides = array<i32>} : memref<2x1040xi32, #tpu.memory_space<vmem>>, vector<1x16xi32>,
      %get3A_954 = arith.constant 504 : index
      %get3A_955 = tpu.vector_load %arg9[%get3A_954] {strides = array<i32>} : memref<520xi32, #tpu.memory_space<vmem>>, vector<16xi32>,
      %get3A_956 = vector.shape_cast %get3A_955 : vector<16xi32> to vector<16xi32>
      %get3A_957 = arith.index_cast %rem3A_89 : i32 to index
      %get3A_958 = arith.constant 1024 : index
      %get3A_959 = tpu.vector_load %arg6[%get3A_957, %get3A_958] {strides = array<i32>} : memref<2x1040xi32, #tpu.memory_space<vmem>>, vector<1x16xi32>,
      %get3A_960 = vector.shape_cast %get3A_959 : vector<1x16xi32> to vector<16xi32>
      %add3A_961 = arith.addi %get3A_960, %get3A_956 : vector<16xi32>
      %swap3A_962 = arith.index_cast %rem3A_89 : i32 to index
      %swap3A_963 = arith.constant 1024 : index
      %swap3A_964 = tpu.vector_load %arg7[%swap3A_962, %swap3A_963] {strides = array<i32>} : memref<2x1040xi32, #tpu.memory_space<vmem>>, vector<1x16xi32>,
      %swap3A_965 = vector.shape_cast %swap3A_964 : vector<1x16xi32> to vector<16xi32>
      %swap3A_966 = vector.shape_cast %add3A_961 : vector<16xi32> to vector<1x16xi32>
      tpu.vector_store %arg7[%swap3A_962, %swap3A_963], %swap3A_966 {strides = array<i32>} : memref<2x1040xi32, #tpu.memory_space<vmem>>, vector<1x16xi32>,
      %not3A = arith.constant true
      %not3A_967 = arith.xori %scan3A_88, %not3A : i1
      %convert_element_type3A = arith.extui %not3A_967 : i1 to i32
      %cond3A = arith.constant 0 : i32
      %cond3A_968 = arith.cmpi ne, %convert_element_type3A, %cond3A : i32
      scf.if %cond3A_968 {
        %mul3A_1263 = arith.constant 32 : i32
        %mul3A_1264 = arith.muli %scan3A_87, %mul3A_1263 : i32
        %add3A_1265 = arith.addi %mul3A_1264, %add3A : i32
        %mul3A_1266 = arith.constant 2 : i32
        %mul3A_1267 = arith.muli %mul3A_1266, %add3A_1265 : i32
        %add3A_1268 = arith.constant 0 : i32
        %add3A_1269 = arith.addi %mul3A_1267, %add3A_1268 : i32
        %mul3A_1270 = arith.constant 520 : i32
        %mul3A_1271 = arith.muli %add3A_1269, %mul3A_1270 : i32
        %multiple_of3A_1272 = tpu.assume_multiple %mul3A_1271, 520 : i32
        %dma_wait3A_1273 = arith.constant 0 : i32
        %dma_wait3A_1274 = arith.constant 0 : i32
        %dma_wait3A_1275 = arith.constant 0 : i32
        %dma_wait3A_1276 = tpu.memref_slice %arg8[%dma_wait3A_1273, %dma_wait3A_1274, %dma_wait3A_1275] : memref<2x520x64xf32, #tpu.memory_space<vmem>> -> memref<1x520x64xf32, #tpu.memory_space<vmem>>
        %dma_wait3A_1277 = tpu.memref_squeeze %dma_wait3A_1276 : memref<1x520x64xf32, #tpu.memory_space<vmem>> -> memref<520x64xf32, #tpu.memory_space<vmem>>
        %dma_wait3A_1278 = arith.constant 0 : i32
        %dma_wait3A_1279 = tpu.memref_slice %arg5[%multiple_of3A_1272, %dma_wait3A_1278] : memref<532480x64xf32, #tpu.memory_space<hbm>> -> memref<520x64xf32, #tpu.memory_space<hbm>>
        %dma_wait3A_1280 = arith.constant 0 : i32
        %dma_wait3A_1281 = tpu.memref_slice %arg5[%multiple_of3A_1272, %dma_wait3A_1280] : memref<532480x64xf32, #tpu.memory_space<hbm>> -> memref<520x64xf32, #tpu.memory_space<hbm>>
        %dma_wait3A_1282 = arith.constant 0 : i32
        %dma_wait3A_1283 = arith.constant 0 : i32
        %dma_wait3A_1284 = tpu.memref_slice %arg8[%dma_wait3A_1273, %dma_wait3A_1282, %dma_wait3A_1283] : memref<2x520x64xf32, #tpu.memory_space<vmem>> -> memref<1x520x64xf32, #tpu.memory_space<vmem>>
        %dma_wait3A_1285 = tpu.memref_squeeze %dma_wait3A_1284 : memref<1x520x64xf32, #tpu.memory_space<vmem>> -> memref<520x64xf32, #tpu.memory_space<vmem>>
        tpu.wait_dma2 semaphore(%arg12 : memref<!tpu.dma_semaphore, #tpu.memory_space<semaphore_mem>>) src(%dma_wait3A_1285 : memref<520x64xf32, #tpu.memory_space<vmem>>) dst(%dma_wait3A_1281 : memref<520x64xf32, #tpu.memory_space<hbm>>)
      } else {
      }
      %dma_start3A_969 = arith.constant 0 : i32
      %dma_start3A_970 = arith.constant 0 : i32
      %dma_start3A_971 = arith.constant 0 : i32
      %dma_start3A_972 = tpu.memref_slice %arg8[%dma_start3A_969, %dma_start3A_970, %dma_start3A_971] : memref<2x520x64xf32, #tpu.memory_space<vmem>> -> memref<1x104x64xf32, #tpu.memory_space<vmem>>
      %dma_start3A_973 = tpu.memref_squeeze %dma_start3A_972 : memref<1x104x64xf32, #tpu.memory_space<vmem>> -> memref<104x64xf32, #tpu.memory_space<vmem>>
      %dma_start3A_974 = arith.constant 0 : i32
      %dma_start3A_975 = tpu.memref_slice %arg7[%rem3A_89, %dma_start3A_974] : memref<2x1040xi32, #tpu.memory_space<vmem>> -> memref<1x104xi32, #tpu.memory_space<vmem>>
      %dma_start3A_976 = tpu.memref_squeeze %dma_start3A_975 : memref<1x104xi32, #tpu.memory_space<vmem>> -> memref<104xi32, #tpu.memory_space<vmem>>
      %dma_start3A_977 = arith.constant 0 : i32
      %dma_start3A_978 = arith.constant 0 : i32
      %dma_start3A_979 = tpu.memref_slice %arg3[%dma_start3A_977, %dma_start3A_978] : memref<26000x64xf32, #tpu.memory_space<hbm>> -> memref<26000x64xf32, #tpu.memory_space<hbm>>
      tpu.enqueue_indirect_dma source(%dma_start3A_979 : memref<26000x64xf32, #tpu.memory_space<hbm>>) target(%dma_start3A_973 : memref<104x64xf32, #tpu.memory_space<vmem>>) offsets(%dma_start3A_976 : memref<104xi32, #tpu.memory_space<vmem>>) semaphore(%arg10 : memref<!tpu.dma_semaphore, #tpu.memory_space<semaphore_mem>>)
      %dma_start3A_980 = arith.constant 0 : i32
      %dma_start3A_981 = arith.constant 104 : i32
      %dma_start3A_982 = arith.constant 0 : i32
      %dma_start3A_983 = tpu.memref_slice %arg8[%dma_start3A_980, %dma_start3A_981, %dma_start3A_982] : memref<2x520x64xf32, #tpu.memory_space<vmem>> -> memref<1x104x64xf32, #tpu.memory_space<vmem>>
      %dma_start3A_984 = tpu.memref_squeeze %dma_start3A_983 : memref<1x104x64xf32, #tpu.memory_space<vmem>> -> memref<104x64xf32, #tpu.memory_space<vmem>>
      %dma_start3A_985 = arith.constant 104 : i32
      %dma_start3A_986 = tpu.memref_slice %arg7[%rem3A_89, %dma_start3A_985] : memref<2x1040xi32, #tpu.memory_space<vmem>> -> memref<1x104xi32, #tpu.memory_space<vmem>>
      %dma_start3A_987 = tpu.memref_squeeze %dma_start3A_986 : memref<1x104xi32, #tpu.memory_space<vmem>> -> memref<104xi32, #tpu.memory_space<vmem>>
      %dma_start3A_988 = arith.constant 0 : i32
      %dma_start3A_989 = arith.constant 0 : i32
      %dma_start3A_990 = tpu.memref_slice %arg3[%dma_start3A_988, %dma_start3A_989] : memref<26000x64xf32, #tpu.memory_space<hbm>> -> memref<26000x64xf32, #tpu.memory_space<hbm>>
      tpu.enqueue_indirect_dma source(%dma_start3A_990 : memref<26000x64xf32, #tpu.memory_space<hbm>>) target(%dma_start3A_984 : memref<104x64xf32, #tpu.memory_space<vmem>>) offsets(%dma_start3A_987 : memref<104xi32, #tpu.memory_space<vmem>>) semaphore(%arg10 : memref<!tpu.dma_semaphore, #tpu.memory_space<semaphore_mem>>)
      %dma_start3A_991 = arith.constant 0 : i32
      %dma_start3A_992 = arith.constant 208 : i32
      %dma_start3A_993 = arith.constant 0 : i32
      %dma_start3A_994 = tpu.memref_slice %arg8[%dma_start3A_991, %dma_start3A_992, %dma_start3A_993] : memref<2x520x64xf32, #tpu.memory_space<vmem>> -> memref<1x104x64xf32, #tpu.memory_space<vmem>>
      %dma_start3A_995 = tpu.memref_squeeze %dma_start3A_994 : memref<1x104x64xf32, #tpu.memory_space<vmem>> -> memref<104x64xf32, #tpu.memory_space<vmem>>
      %dma_start3A_996 = arith.constant 208 : i32
      %dma_start3A_997 = tpu.memref_slice %arg7[%rem3A_89, %dma_start3A_996] : memref<2x1040xi32, #tpu.memory_space<vmem>> -> memref<1x104xi32, #tpu.memory_space<vmem>>
      %dma_start3A_998 = tpu.memref_squeeze %dma_start3A_997 : memref<1x104xi32, #tpu.memory_space<vmem>> -> memref<104xi32, #tpu.memory_space<vmem>>
      %dma_start3A_999 = arith.constant 0 : i32
      %dma_start3A_1000 = arith.constant 0 : i32
      %dma_start3A_1001 = tpu.memref_slice %arg3[%dma_start3A_999, %dma_start3A_1000] : memref<26000x64xf32, #tpu.memory_space<hbm>> -> memref<26000x64xf32, #tpu.memory_space<hbm>>
      tpu.enqueue_indirect_dma source(%dma_start3A_1001 : memref<26000x64xf32, #tpu.memory_space<hbm>>) target(%dma_start3A_995 : memref<104x64xf32, #tpu.memory_space<vmem>>) offsets(%dma_start3A_998 : memref<104xi32, #tpu.memory_space<vmem>>) semaphore(%arg10 : memref<!tpu.dma_semaphore, #tpu.memory_space<semaphore_mem>>)
      %dma_start3A_1002 = arith.constant 0 : i32
      %dma_start3A_1003 = arith.constant 312 : i32
      %dma_start3A_1004 = arith.constant 0 : i32
      %dma_start3A_1005 = tpu.memref_slice %arg8[%dma_start3A_1002, %dma_start3A_1003, %dma_start3A_1004] : memref<2x520x64xf32, #tpu.memory_space<vmem>> -> memref<1x104x64xf32, #tpu.memory_space<vmem>>
      %dma_start3A_1006 = tpu.memref_squeeze %dma_start3A_1005 : memref<1x104x64xf32, #tpu.memory_space<vmem>> -> memref<104x64xf32, #tpu.memory_space<vmem>>
      %dma_start3A_1007 = arith.constant 312 : i32
      %dma_start3A_1008 = tpu.memref_slice %arg7[%rem3A_89, %dma_start3A_1007] : memref<2x1040xi32, #tpu.memory_space<vmem>> -> memref<1x104xi32, #tpu.memory_space<vmem>>
      %dma_start3A_1009 = tpu.memref_squeeze %dma_start3A_1008 : memref<1x104xi32, #tpu.memory_space<vmem>> -> memref<104xi32, #tpu.memory_space<vmem>>
      %dma_start3A_1010 = arith.constant 0 : i32
      %dma_start3A_1011 = arith.constant 0 : i32
      %dma_start3A_1012 = tpu.memref_slice %arg3[%dma_start3A_1010, %dma_start3A_1011] : memref<26000x64xf32, #tpu.memory_space<hbm>> -> memref<26000x64xf32, #tpu.memory_space<hbm>>
      tpu.enqueue_indirect_dma source(%dma_start3A_1012 : memref<26000x64xf32, #tpu.memory_space<hbm>>) target(%dma_start3A_1006 : memref<104x64xf32, #tpu.memory_space<vmem>>) offsets(%dma_start3A_1009 : memref<104xi32, #tpu.memory_space<vmem>>) semaphore(%arg10 : memref<!tpu.dma_semaphore, #tpu.memory_space<semaphore_mem>>)
      %dma_start3A_1013 = arith.constant 0 : i32
      %dma_start3A_1014 = arith.constant 416 : i32
      %dma_start3A_1015 = arith.constant 0 : i32
      %dma_start3A_1016 = tpu.memref_slice %arg8[%dma_start3A_1013, %dma_start3A_1014, %dma_start3A_1015] : memref<2x520x64xf32, #tpu.memory_space<vmem>> -> memref<1x104x64xf32, #tpu.memory_space<vmem>>
      %dma_start3A_1017 = tpu.memref_squeeze %dma_start3A_1016 : memref<1x104x64xf32, #tpu.memory_space<vmem>> -> memref<104x64xf32, #tpu.memory_space<vmem>>
      %dma_start3A_1018 = arith.constant 416 : i32
      %dma_start3A_1019 = tpu.memref_slice %arg7[%rem3A_89, %dma_start3A_1018] : memref<2x1040xi32, #tpu.memory_space<vmem>> -> memref<1x104xi32, #tpu.memory_space<vmem>>
      %dma_start3A_1020 = tpu.memref_squeeze %dma_start3A_1019 : memref<1x104xi32, #tpu.memory_space<vmem>> -> memref<104xi32, #tpu.memory_space<vmem>>
      %dma_start3A_1021 = arith.constant 0 : i32
      %dma_start3A_1022 = arith.constant 0 : i32
      %dma_start3A_1023 = tpu.memref_slice %arg3[%dma_start3A_1021, %dma_start3A_1022] : memref<26000x64xf32, #tpu.memory_space<hbm>> -> memref<26000x64xf32, #tpu.memory_space<hbm>>
      tpu.enqueue_indirect_dma source(%dma_start3A_1023 : memref<26000x64xf32, #tpu.memory_space<hbm>>) target(%dma_start3A_1017 : memref<104x64xf32, #tpu.memory_space<vmem>>) offsets(%dma_start3A_1020 : memref<104xi32, #tpu.memory_space<vmem>>) semaphore(%arg10 : memref<!tpu.dma_semaphore, #tpu.memory_space<semaphore_mem>>)
      %not3A_1024 = arith.constant true
      %not3A_1025 = arith.xori %scan3A_88, %not3A_1024 : i1
      %convert_element_type3A_1026 = arith.extui %not3A_1025 : i1 to i32
      %cond3A_1027 = arith.constant 0 : i32
      %cond3A_1028 = arith.cmpi ne, %convert_element_type3A_1026, %cond3A_1027 : i32
      scf.if %cond3A_1028 {
        %mul3A_1263 = arith.constant 32 : i32
        %mul3A_1264 = arith.muli %scan3A_87, %mul3A_1263 : i32
        %add3A_1265 = arith.addi %mul3A_1264, %add3A : i32
        %mul3A_1266 = arith.constant 2 : i32
        %mul3A_1267 = arith.muli %mul3A_1266, %add3A_1265 : i32
        %add3A_1268 = arith.constant 1 : i32
        %add3A_1269 = arith.addi %mul3A_1267, %add3A_1268 : i32
        %mul3A_1270 = arith.constant 520 : i32
        %mul3A_1271 = arith.muli %add3A_1269, %mul3A_1270 : i32
        %multiple_of3A_1272 = tpu.assume_multiple %mul3A_1271, 520 : i32
        %dma_wait3A_1273 = arith.constant 1 : i32
        %dma_wait3A_1274 = arith.constant 0 : i32
        %dma_wait3A_1275 = arith.constant 0 : i32
        %dma_wait3A_1276 = tpu.memref_slice %arg8[%dma_wait3A_1273, %dma_wait3A_1274, %dma_wait3A_1275] : memref<2x520x64xf32, #tpu.memory_space<vmem>> -> memref<1x520x64xf32, #tpu.memory_space<vmem>>
        %dma_wait3A_1277 = tpu.memref_squeeze %dma_wait3A_1276 : memref<1x520x64xf32, #tpu.memory_space<vmem>> -> memref<520x64xf32, #tpu.memory_space<vmem>>
        %dma_wait3A_1278 = arith.constant 0 : i32
        %dma_wait3A_1279 = tpu.memref_slice %arg5[%multiple_of3A_1272, %dma_wait3A_1278] : memref<532480x64xf32, #tpu.memory_space<hbm>> -> memref<520x64xf32, #tpu.memory_space<hbm>>
        %dma_wait3A_1280 = arith.constant 0 : i32
        %dma_wait3A_1281 = tpu.memref_slice %arg5[%multiple_of3A_1272, %dma_wait3A_1280] : memref<532480x64xf32, #tpu.memory_space<hbm>> -> memref<520x64xf32, #tpu.memory_space<hbm>>
        %dma_wait3A_1282 = arith.constant 0 : i32
        %dma_wait3A_1283 = arith.constant 0 : i32
        %dma_wait3A_1284 = tpu.memref_slice %arg8[%dma_wait3A_1273, %dma_wait3A_1282, %dma_wait3A_1283] : memref<2x520x64xf32, #tpu.memory_space<vmem>> -> memref<1x520x64xf32, #tpu.memory_space<vmem>>
        %dma_wait3A_1285 = tpu.memref_squeeze %dma_wait3A_1284 : memref<1x520x64xf32, #tpu.memory_space<vmem>> -> memref<520x64xf32, #tpu.memory_space<vmem>>
        tpu.wait_dma2 semaphore(%arg13 : memref<!tpu.dma_semaphore, #tpu.memory_space<semaphore_mem>>) src(%dma_wait3A_1285 : memref<520x64xf32, #tpu.memory_space<vmem>>) dst(%dma_wait3A_1281 : memref<520x64xf32, #tpu.memory_space<hbm>>)
      } else {
      }
      %dma_start3A_1029 = arith.constant 1 : i32
      %dma_start3A_1030 = arith.constant 0 : i32
      %dma_start3A_1031 = arith.constant 0 : i32
      %dma_start3A_1032 = tpu.memref_slice %arg8[%dma_start3A_1029, %dma_start3A_1030, %dma_start3A_1031] : memref<2x520x64xf32, #tpu.memory_space<vmem>> -> memref<1x104x64xf32, #tpu.memory_space<vmem>>
      %dma_start3A_1033 = tpu.memref_squeeze %dma_start3A_1032 : memref<1x104x64xf32, #tpu.memory_space<vmem>> -> memref<104x64xf32, #tpu.memory_space<vmem>>
      %dma_start3A_1034 = arith.constant 520 : i32
      %dma_start3A_1035 = tpu.memref_slice %arg7[%rem3A_89, %dma_start3A_1034] : memref<2x1040xi32, #tpu.memory_space<vmem>> -> memref<1x104xi32, #tpu.memory_space<vmem>>
      %dma_start3A_1036 = tpu.memref_squeeze %dma_start3A_1035 : memref<1x104xi32, #tpu.memory_space<vmem>> -> memref<104xi32, #tpu.memory_space<vmem>>
      %dma_start3A_1037 = arith.constant 0 : i32
      %dma_start3A_1038 = arith.constant 0 : i32
      %dma_start3A_1039 = tpu.memref_slice %arg3[%dma_start3A_1037, %dma_start3A_1038] : memref<26000x64xf32, #tpu.memory_space<hbm>> -> memref<26000x64xf32, #tpu.memory_space<hbm>>
      tpu.enqueue_indirect_dma source(%dma_start3A_1039 : memref<26000x64xf32, #tpu.memory_space<hbm>>) target(%dma_start3A_1033 : memref<104x64xf32, #tpu.memory_space<vmem>>) offsets(%dma_start3A_1036 : memref<104xi32, #tpu.memory_space<vmem>>) semaphore(%arg11 : memref<!tpu.dma_semaphore, #tpu.memory_space<semaphore_mem>>)
      %dma_start3A_1040 = arith.constant 1 : i32
      %dma_start3A_1041 = arith.constant 104 : i32
      %dma_start3A_1042 = arith.constant 0 : i32
      %dma_start3A_1043 = tpu.memref_slice %arg8[%dma_start3A_1040, %dma_start3A_1041, %dma_start3A_1042] : memref<2x520x64xf32, #tpu.memory_space<vmem>> -> memref<1x104x64xf32, #tpu.memory_space<vmem>>
      %dma_start3A_1044 = tpu.memref_squeeze %dma_start3A_1043 : memref<1x104x64xf32, #tpu.memory_space<vmem>> -> memref<104x64xf32, #tpu.memory_space<vmem>>
      %dma_start3A_1045 = arith.constant 624 : i32
      %dma_start3A_1046 = tpu.memref_slice %arg7[%rem3A_89, %dma_start3A_1045] : memref<2x1040xi32, #tpu.memory_space<vmem>> -> memref<1x104xi32, #tpu.memory_space<vmem>>
      %dma_start3A_1047 = tpu.memref_squeeze %dma_start3A_1046 : memref<1x104xi32, #tpu.memory_space<vmem>> -> memref<104xi32, #tpu.memory_space<vmem>>
      %dma_start3A_1048 = arith.constant 0 : i32
      %dma_start3A_1049 = arith.constant 0 : i32
      %dma_start3A_1050 = tpu.memref_slice %arg3[%dma_start3A_1048, %dma_start3A_1049] : memref<26000x64xf32, #tpu.memory_space<hbm>> -> memref<26000x64xf32, #tpu.memory_space<hbm>>
      tpu.enqueue_indirect_dma source(%dma_start3A_1050 : memref<26000x64xf32, #tpu.memory_space<hbm>>) target(%dma_start3A_1044 : memref<104x64xf32, #tpu.memory_space<vmem>>) offsets(%dma_start3A_1047 : memref<104xi32, #tpu.memory_space<vmem>>) semaphore(%arg11 : memref<!tpu.dma_semaphore, #tpu.memory_space<semaphore_mem>>)
      %dma_start3A_1051 = arith.constant 1 : i32
      %dma_start3A_1052 = arith.constant 208 : i32
      %dma_start3A_1053 = arith.constant 0 : i32
      %dma_start3A_1054 = tpu.memref_slice %arg8[%dma_start3A_1051, %dma_start3A_1052, %dma_start3A_1053] : memref<2x520x64xf32, #tpu.memory_space<vmem>> -> memref<1x104x64xf32, #tpu.memory_space<vmem>>
      %dma_start3A_1055 = tpu.memref_squeeze %dma_start3A_1054 : memref<1x104x64xf32, #tpu.memory_space<vmem>> -> memref<104x64xf32, #tpu.memory_space<vmem>>
      %dma_start3A_1056 = arith.constant 728 : i32
      %dma_start3A_1057 = tpu.memref_slice %arg7[%rem3A_89, %dma_start3A_1056] : memref<2x1040xi32, #tpu.memory_space<vmem>> -> memref<1x104xi32, #tpu.memory_space<vmem>>
      %dma_start3A_1058 = tpu.memref_squeeze %dma_start3A_1057 : memref<1x104xi32, #tpu.memory_space<vmem>> -> memref<104xi32, #tpu.memory_space<vmem>>
      %dma_start3A_1059 = arith.constant 0 : i32
      %dma_start3A_1060 = arith.constant 0 : i32
      %dma_start3A_1061 = tpu.memref_slice %arg3[%dma_start3A_1059, %dma_start3A_1060] : memref<26000x64xf32, #tpu.memory_space<hbm>> -> memref<26000x64xf32, #tpu.memory_space<hbm>>
      tpu.enqueue_indirect_dma source(%dma_start3A_1061 : memref<26000x64xf32, #tpu.memory_space<hbm>>) target(%dma_start3A_1055 : memref<104x64xf32, #tpu.memory_space<vmem>>) offsets(%dma_start3A_1058 : memref<104xi32, #tpu.memory_space<vmem>>) semaphore(%arg11 : memref<!tpu.dma_semaphore, #tpu.memory_space<semaphore_mem>>)
      %dma_start3A_1062 = arith.constant 1 : i32
      %dma_start3A_1063 = arith.constant 312 : i32
      %dma_start3A_1064 = arith.constant 0 : i32
      %dma_start3A_1065 = tpu.memref_slice %arg8[%dma_start3A_1062, %dma_start3A_1063, %dma_start3A_1064] : memref<2x520x64xf32, #tpu.memory_space<vmem>> -> memref<1x104x64xf32, #tpu.memory_space<vmem>>
      %dma_start3A_1066 = tpu.memref_squeeze %dma_start3A_1065 : memref<1x104x64xf32, #tpu.memory_space<vmem>> -> memref<104x64xf32, #tpu.memory_space<vmem>>
      %dma_start3A_1067 = arith.constant 832 : i32
      %dma_start3A_1068 = tpu.memref_slice %arg7[%rem3A_89, %dma_start3A_1067] : memref<2x1040xi32, #tpu.memory_space<vmem>> -> memref<1x104xi32, #tpu.memory_space<vmem>>
      %dma_start3A_1069 = tpu.memref_squeeze %dma_start3A_1068 : memref<1x104xi32, #tpu.memory_space<vmem>> -> memref<104xi32, #tpu.memory_space<vmem>>
      %dma_start3A_1070 = arith.constant 0 : i32
      %dma_start3A_1071 = arith.constant 0 : i32
      %dma_start3A_1072 = tpu.memref_slice %arg3[%dma_start3A_1070, %dma_start3A_1071] : memref<26000x64xf32, #tpu.memory_space<hbm>> -> memref<26000x64xf32, #tpu.memory_space<hbm>>
      tpu.enqueue_indirect_dma source(%dma_start3A_1072 : memref<26000x64xf32, #tpu.memory_space<hbm>>) target(%dma_start3A_1066 : memref<104x64xf32, #tpu.memory_space<vmem>>) offsets(%dma_start3A_1069 : memref<104xi32, #tpu.memory_space<vmem>>) semaphore(%arg11 : memref<!tpu.dma_semaphore, #tpu.memory_space<semaphore_mem>>)
      %dma_start3A_1073 = arith.constant 1 : i32
      %dma_start3A_1074 = arith.constant 416 : i32
      %dma_start3A_1075 = arith.constant 0 : i32
      %dma_start3A_1076 = tpu.memref_slice %arg8[%dma_start3A_1073, %dma_start3A_1074, %dma_start3A_1075] : memref<2x520x64xf32, #tpu.memory_space<vmem>> -> memref<1x104x64xf32, #tpu.memory_space<vmem>>
      %dma_start3A_1077 = tpu.memref_squeeze %dma_start3A_1076 : memref<1x104x64xf32, #tpu.memory_space<vmem>> -> memref<104x64xf32, #tpu.memory_space<vmem>>
      %dma_start3A_1078 = arith.constant 936 : i32
      %dma_start3A_1079 = tpu.memref_slice %arg7[%rem3A_89, %dma_start3A_1078] : memref<2x1040xi32, #tpu.memory_space<vmem>> -> memref<1x104xi32, #tpu.memory_space<vmem>>
      %dma_start3A_1080 = tpu.memref_squeeze %dma_start3A_1079 : memref<1x104xi32, #tpu.memory_space<vmem>> -> memref<104xi32, #tpu.memory_space<vmem>>
      %dma_start3A_1081 = arith.constant 0 : i32
      %dma_start3A_1082 = arith.constant 0 : i32
      %dma_start3A_1083 = tpu.memref_slice %arg3[%dma_start3A_1081, %dma_start3A_1082] : memref<26000x64xf32, #tpu.memory_space<hbm>> -> memref<26000x64xf32, #tpu.memory_space<hbm>>
      tpu.enqueue_indirect_dma source(%dma_start3A_1083 : memref<26000x64xf32, #tpu.memory_space<hbm>>) target(%dma_start3A_1077 : memref<104x64xf32, #tpu.memory_space<vmem>>) offsets(%dma_start3A_1080 : memref<104xi32, #tpu.memory_space<vmem>>) semaphore(%arg11 : memref<!tpu.dma_semaphore, #tpu.memory_space<semaphore_mem>>)
      %dma_wait3A_1084 = arith.constant 0 : i32
      %dma_wait3A_1085 = arith.constant 0 : i32
      %dma_wait3A_1086 = arith.constant 0 : i32
      %dma_wait3A_1087 = tpu.memref_slice %arg8[%dma_wait3A_1084, %dma_wait3A_1085, %dma_wait3A_1086] : memref<2x520x64xf32, #tpu.memory_space<vmem>> -> memref<1x104x64xf32, #tpu.memory_space<vmem>>
      %dma_wait3A_1088 = tpu.memref_squeeze %dma_wait3A_1087 : memref<1x104x64xf32, #tpu.memory_space<vmem>> -> memref<104x64xf32, #tpu.memory_space<vmem>>
      %dma_wait3A_1089 = arith.constant 0 : i32
      %dma_wait3A_1090 = tpu.memref_slice %arg7[%rem3A_89, %dma_wait3A_1089] : memref<2x1040xi32, #tpu.memory_space<vmem>> -> memref<1x104xi32, #tpu.memory_space<vmem>>
      %dma_wait3A_1091 = tpu.memref_squeeze %dma_wait3A_1090 : memref<1x104xi32, #tpu.memory_space<vmem>> -> memref<104xi32, #tpu.memory_space<vmem>>
      %dma_wait3A_1092 = arith.constant 0 : i32
      %dma_wait3A_1093 = arith.constant 0 : i32
      %dma_wait3A_1094 = tpu.memref_slice %arg3[%dma_wait3A_1092, %dma_wait3A_1093] : memref<26000x64xf32, #tpu.memory_space<hbm>> -> memref<26000x64xf32, #tpu.memory_space<hbm>>
      tpu.wait_indirect_dma semaphore(%arg10 : memref<!tpu.dma_semaphore, #tpu.memory_space<semaphore_mem>>) src(%dma_wait3A_1094 : memref<26000x64xf32, #tpu.memory_space<hbm>>) dst(%dma_wait3A_1088 : memref<104x64xf32, #tpu.memory_space<vmem>>)
      %dma_wait3A_1095 = arith.constant 0 : i32
      %dma_wait3A_1096 = arith.constant 104 : i32
      %dma_wait3A_1097 = arith.constant 0 : i32
      %dma_wait3A_1098 = tpu.memref_slice %arg8[%dma_wait3A_1095, %dma_wait3A_1096, %dma_wait3A_1097] : memref<2x520x64xf32, #tpu.memory_space<vmem>> -> memref<1x104x64xf32, #tpu.memory_space<vmem>>
      %dma_wait3A_1099 = tpu.memref_squeeze %dma_wait3A_1098 : memref<1x104x64xf32, #tpu.memory_space<vmem>> -> memref<104x64xf32, #tpu.memory_space<vmem>>
      %dma_wait3A_1100 = arith.constant 104 : i32
      %dma_wait3A_1101 = tpu.memref_slice %arg7[%rem3A_89, %dma_wait3A_1100] : memref<2x1040xi32, #tpu.memory_space<vmem>> -> memref<1x104xi32, #tpu.memory_space<vmem>>
      %dma_wait3A_1102 = tpu.memref_squeeze %dma_wait3A_1101 : memref<1x104xi32, #tpu.memory_space<vmem>> -> memref<104xi32, #tpu.memory_space<vmem>>
      %dma_wait3A_1103 = arith.constant 0 : i32
      %dma_wait3A_1104 = arith.constant 0 : i32
      %dma_wait3A_1105 = tpu.memref_slice %arg3[%dma_wait3A_1103, %dma_wait3A_1104] : memref<26000x64xf32, #tpu.memory_space<hbm>> -> memref<26000x64xf32, #tpu.memory_space<hbm>>
      tpu.wait_indirect_dma semaphore(%arg10 : memref<!tpu.dma_semaphore, #tpu.memory_space<semaphore_mem>>) src(%dma_wait3A_1105 : memref<26000x64xf32, #tpu.memory_space<hbm>>) dst(%dma_wait3A_1099 : memref<104x64xf32, #tpu.memory_space<vmem>>)
      %dma_wait3A_1106 = arith.constant 0 : i32
      %dma_wait3A_1107 = arith.constant 208 : i32
      %dma_wait3A_1108 = arith.constant 0 : i32
      %dma_wait3A_1109 = tpu.memref_slice %arg8[%dma_wait3A_1106, %dma_wait3A_1107, %dma_wait3A_1108] : memref<2x520x64xf32, #tpu.memory_space<vmem>> -> memref<1x104x64xf32, #tpu.memory_space<vmem>>
      %dma_wait3A_1110 = tpu.memref_squeeze %dma_wait3A_1109 : memref<1x104x64xf32, #tpu.memory_space<vmem>> -> memref<104x64xf32, #tpu.memory_space<vmem>>
      %dma_wait3A_1111 = arith.constant 208 : i32
      %dma_wait3A_1112 = tpu.memref_slice %arg7[%rem3A_89, %dma_wait3A_1111] : memref<2x1040xi32, #tpu.memory_space<vmem>> -> memref<1x104xi32, #tpu.memory_space<vmem>>
      %dma_wait3A_1113 = tpu.memref_squeeze %dma_wait3A_1112 : memref<1x104xi32, #tpu.memory_space<vmem>> -> memref<104xi32, #tpu.memory_space<vmem>>
      %dma_wait3A_1114 = arith.constant 0 : i32
      %dma_wait3A_1115 = arith.constant 0 : i32
      %dma_wait3A_1116 = tpu.memref_slice %arg3[%dma_wait3A_1114, %dma_wait3A_1115] : memref<26000x64xf32, #tpu.memory_space<hbm>> -> memref<26000x64xf32, #tpu.memory_space<hbm>>
      tpu.wait_indirect_dma semaphore(%arg10 : memref<!tpu.dma_semaphore, #tpu.memory_space<semaphore_mem>>) src(%dma_wait3A_1116 : memref<26000x64xf32, #tpu.memory_space<hbm>>) dst(%dma_wait3A_1110 : memref<104x64xf32, #tpu.memory_space<vmem>>)
      %dma_wait3A_1117 = arith.constant 0 : i32
      %dma_wait3A_1118 = arith.constant 312 : i32
      %dma_wait3A_1119 = arith.constant 0 : i32
      %dma_wait3A_1120 = tpu.memref_slice %arg8[%dma_wait3A_1117, %dma_wait3A_1118, %dma_wait3A_1119] : memref<2x520x64xf32, #tpu.memory_space<vmem>> -> memref<1x104x64xf32, #tpu.memory_space<vmem>>
      %dma_wait3A_1121 = tpu.memref_squeeze %dma_wait3A_1120 : memref<1x104x64xf32, #tpu.memory_space<vmem>> -> memref<104x64xf32, #tpu.memory_space<vmem>>
      %dma_wait3A_1122 = arith.constant 312 : i32
      %dma_wait3A_1123 = tpu.memref_slice %arg7[%rem3A_89, %dma_wait3A_1122] : memref<2x1040xi32, #tpu.memory_space<vmem>> -> memref<1x104xi32, #tpu.memory_space<vmem>>
      %dma_wait3A_1124 = tpu.memref_squeeze %dma_wait3A_1123 : memref<1x104xi32, #tpu.memory_space<vmem>> -> memref<104xi32, #tpu.memory_space<vmem>>
      %dma_wait3A_1125 = arith.constant 0 : i32
      %dma_wait3A_1126 = arith.constant 0 : i32
      %dma_wait3A_1127 = tpu.memref_slice %arg3[%dma_wait3A_1125, %dma_wait3A_1126] : memref<26000x64xf32, #tpu.memory_space<hbm>> -> memref<26000x64xf32, #tpu.memory_space<hbm>>
      tpu.wait_indirect_dma semaphore(%arg10 : memref<!tpu.dma_semaphore, #tpu.memory_space<semaphore_mem>>) src(%dma_wait3A_1127 : memref<26000x64xf32, #tpu.memory_space<hbm>>) dst(%dma_wait3A_1121 : memref<104x64xf32, #tpu.memory_space<vmem>>)
      %dma_wait3A_1128 = arith.constant 0 : i32
      %dma_wait3A_1129 = arith.constant 416 : i32
      %dma_wait3A_1130 = arith.constant 0 : i32
      %dma_wait3A_1131 = tpu.memref_slice %arg8[%dma_wait3A_1128, %dma_wait3A_1129, %dma_wait3A_1130] : memref<2x520x64xf32, #tpu.memory_space<vmem>> -> memref<1x104x64xf32, #tpu.memory_space<vmem>>
      %dma_wait3A_1132 = tpu.memref_squeeze %dma_wait3A_1131 : memref<1x104x64xf32, #tpu.memory_space<vmem>> -> memref<104x64xf32, #tpu.memory_space<vmem>>
      %dma_wait3A_1133 = arith.constant 416 : i32
      %dma_wait3A_1134 = tpu.memref_slice %arg7[%rem3A_89, %dma_wait3A_1133] : memref<2x1040xi32, #tpu.memory_space<vmem>> -> memref<1x104xi32, #tpu.memory_space<vmem>>
      %dma_wait3A_1135 = tpu.memref_squeeze %dma_wait3A_1134 : memref<1x104xi32, #tpu.memory_space<vmem>> -> memref<104xi32, #tpu.memory_space<vmem>>
      %dma_wait3A_1136 = arith.constant 0 : i32
      %dma_wait3A_1137 = arith.constant 0 : i32
      %dma_wait3A_1138 = tpu.memref_slice %arg3[%dma_wait3A_1136, %dma_wait3A_1137] : memref<26000x64xf32, #tpu.memory_space<hbm>> -> memref<26000x64xf32, #tpu.memory_space<hbm>>
      tpu.wait_indirect_dma semaphore(%arg10 : memref<!tpu.dma_semaphore, #tpu.memory_space<semaphore_mem>>) src(%dma_wait3A_1138 : memref<26000x64xf32, #tpu.memory_space<hbm>>) dst(%dma_wait3A_1132 : memref<104x64xf32, #tpu.memory_space<vmem>>)
      %mul3A_1139 = arith.constant 32 : i32
      %mul3A_1140 = arith.muli %scan3A_87, %mul3A_1139 : i32
      %add3A_1141 = arith.addi %mul3A_1140, %add3A : i32
      %mul3A_1142 = arith.constant 2 : i32
      %mul3A_1143 = arith.muli %mul3A_1142, %add3A_1141 : i32
      %add3A_1144 = arith.constant 0 : i32
      %add3A_1145 = arith.addi %mul3A_1143, %add3A_1144 : i32
      %mul3A_1146 = arith.constant 520 : i32
      %mul3A_1147 = arith.muli %add3A_1145, %mul3A_1146 : i32
      %multiple_of3A_1148 = tpu.assume_multiple %mul3A_1147, 520 : i32
      %dma_start3A_1149 = arith.constant 0 : i32
      %dma_start3A_1150 = arith.constant 0 : i32
      %dma_start3A_1151 = arith.constant 0 : i32
      %dma_start3A_1152 = tpu.memref_slice %arg8[%dma_start3A_1149, %dma_start3A_1150, %dma_start3A_1151] : memref<2x520x64xf32, #tpu.memory_space<vmem>> -> memref<1x520x64xf32, #tpu.memory_space<vmem>>
      %dma_start3A_1153 = tpu.memref_squeeze %dma_start3A_1152 : memref<1x520x64xf32, #tpu.memory_space<vmem>> -> memref<520x64xf32, #tpu.memory_space<vmem>>
      %dma_start3A_1154 = arith.constant 0 : i32
      %dma_start3A_1155 = tpu.memref_slice %arg5[%multiple_of3A_1148, %dma_start3A_1154] : memref<532480x64xf32, #tpu.memory_space<hbm>> -> memref<520x64xf32, #tpu.memory_space<hbm>>
      %dma_start3A_1156 = arith.constant 0 : i32
      %dma_start3A_1157 = tpu.memref_slice %arg5[%multiple_of3A_1148, %dma_start3A_1156] : memref<532480x64xf32, #tpu.memory_space<hbm>> -> memref<520x64xf32, #tpu.memory_space<hbm>>
      %dma_start3A_1158 = arith.constant 0 : i32
      %dma_start3A_1159 = arith.constant 0 : i32
      %dma_start3A_1160 = tpu.memref_slice %arg8[%dma_start3A_1149, %dma_start3A_1158, %dma_start3A_1159] : memref<2x520x64xf32, #tpu.memory_space<vmem>> -> memref<1x520x64xf32, #tpu.memory_space<vmem>>
      %dma_start3A_1161 = tpu.memref_squeeze %dma_start3A_1160 : memref<1x520x64xf32, #tpu.memory_space<vmem>> -> memref<520x64xf32, #tpu.memory_space<vmem>>
      tpu.enqueue_dma source(%dma_start3A_1161 : memref<520x64xf32, #tpu.memory_space<vmem>>) target(%dma_start3A_1157 : memref<520x64xf32, #tpu.memory_space<hbm>>) target_semaphore(%arg12 : memref<!tpu.dma_semaphore, #tpu.memory_space<semaphore_mem>>)
      %dma_wait3A_1162 = arith.constant 1 : i32
      %dma_wait3A_1163 = arith.constant 0 : i32
      %dma_wait3A_1164 = arith.constant 0 : i32
      %dma_wait3A_1165 = tpu.memref_slice %arg8[%dma_wait3A_1162, %dma_wait3A_1163, %dma_wait3A_1164] : memref<2x520x64xf32, #tpu.memory_space<vmem>> -> memref<1x104x64xf32, #tpu.memory_space<vmem>>
      %dma_wait3A_1166 = tpu.memref_squeeze %dma_wait3A_1165 : memref<1x104x64xf32, #tpu.memory_space<vmem>> -> memref<104x64xf32, #tpu.memory_space<vmem>>
      %dma_wait3A_1167 = arith.constant 520 : i32
      %dma_wait3A_1168 = tpu.memref_slice %arg7[%rem3A_89, %dma_wait3A_1167] : memref<2x1040xi32, #tpu.memory_space<vmem>> -> memref<1x104xi32, #tpu.memory_space<vmem>>
      %dma_wait3A_1169 = tpu.memref_squeeze %dma_wait3A_1168 : memref<1x104xi32, #tpu.memory_space<vmem>> -> memref<104xi32, #tpu.memory_space<vmem>>
      %dma_wait3A_1170 = arith.constant 0 : i32
      %dma_wait3A_1171 = arith.constant 0 : i32
      %dma_wait3A_1172 = tpu.memref_slice %arg3[%dma_wait3A_1170, %dma_wait3A_1171] : memref<26000x64xf32, #tpu.memory_space<hbm>> -> memref<26000x64xf32, #tpu.memory_space<hbm>>
      tpu.wait_indirect_dma semaphore(%arg11 : memref<!tpu.dma_semaphore, #tpu.memory_space<semaphore_mem>>) src(%dma_wait3A_1172 : memref<26000x64xf32, #tpu.memory_space<hbm>>) dst(%dma_wait3A_1166 : memref<104x64xf32, #tpu.memory_space<vmem>>)
      %dma_wait3A_1173 = arith.constant 1 : i32
      %dma_wait3A_1174 = arith.constant 104 : i32
      %dma_wait3A_1175 = arith.constant 0 : i32
      %dma_wait3A_1176 = tpu.memref_slice %arg8[%dma_wait3A_1173, %dma_wait3A_1174, %dma_wait3A_1175] : memref<2x520x64xf32, #tpu.memory_space<vmem>> -> memref<1x104x64xf32, #tpu.memory_space<vmem>>
      %dma_wait3A_1177 = tpu.memref_squeeze %dma_wait3A_1176 : memref<1x104x64xf32, #tpu.memory_space<vmem>> -> memref<104x64xf32, #tpu.memory_space<vmem>>
      %dma_wait3A_1178 = arith.constant 624 : i32
      %dma_wait3A_1179 = tpu.memref_slice %arg7[%rem3A_89, %dma_wait3A_1178] : memref<2x1040xi32, #tpu.memory_space<vmem>> -> memref<1x104xi32, #tpu.memory_space<vmem>>
      %dma_wait3A_1180 = tpu.memref_squeeze %dma_wait3A_1179 : memref<1x104xi32, #tpu.memory_space<vmem>> -> memref<104xi32, #tpu.memory_space<vmem>>
      %dma_wait3A_1181 = arith.constant 0 : i32
      %dma_wait3A_1182 = arith.constant 0 : i32
      %dma_wait3A_1183 = tpu.memref_slice %arg3[%dma_wait3A_1181, %dma_wait3A_1182] : memref<26000x64xf32, #tpu.memory_space<hbm>> -> memref<26000x64xf32, #tpu.memory_space<hbm>>
      tpu.wait_indirect_dma semaphore(%arg11 : memref<!tpu.dma_semaphore, #tpu.memory_space<semaphore_mem>>) src(%dma_wait3A_1183 : memref<26000x64xf32, #tpu.memory_space<hbm>>) dst(%dma_wait3A_1177 : memref<104x64xf32, #tpu.memory_space<vmem>>)
      %dma_wait3A_1184 = arith.constant 1 : i32
      %dma_wait3A_1185 = arith.constant 208 : i32
      %dma_wait3A_1186 = arith.constant 0 : i32
      %dma_wait3A_1187 = tpu.memref_slice %arg8[%dma_wait3A_1184, %dma_wait3A_1185, %dma_wait3A_1186] : memref<2x520x64xf32, #tpu.memory_space<vmem>> -> memref<1x104x64xf32, #tpu.memory_space<vmem>>
      %dma_wait3A_1188 = tpu.memref_squeeze %dma_wait3A_1187 : memref<1x104x64xf32, #tpu.memory_space<vmem>> -> memref<104x64xf32, #tpu.memory_space<vmem>>
      %dma_wait3A_1189 = arith.constant 728 : i32
      %dma_wait3A_1190 = tpu.memref_slice %arg7[%rem3A_89, %dma_wait3A_1189] : memref<2x1040xi32, #tpu.memory_space<vmem>> -> memref<1x104xi32, #tpu.memory_space<vmem>>
      %dma_wait3A_1191 = tpu.memref_squeeze %dma_wait3A_1190 : memref<1x104xi32, #tpu.memory_space<vmem>> -> memref<104xi32, #tpu.memory_space<vmem>>
      %dma_wait3A_1192 = arith.constant 0 : i32
      %dma_wait3A_1193 = arith.constant 0 : i32
      %dma_wait3A_1194 = tpu.memref_slice %arg3[%dma_wait3A_1192, %dma_wait3A_1193] : memref<26000x64xf32, #tpu.memory_space<hbm>> -> memref<26000x64xf32, #tpu.memory_space<hbm>>
      tpu.wait_indirect_dma semaphore(%arg11 : memref<!tpu.dma_semaphore, #tpu.memory_space<semaphore_mem>>) src(%dma_wait3A_1194 : memref<26000x64xf32, #tpu.memory_space<hbm>>) dst(%dma_wait3A_1188 : memref<104x64xf32, #tpu.memory_space<vmem>>)
      %dma_wait3A_1195 = arith.constant 1 : i32
      %dma_wait3A_1196 = arith.constant 312 : i32
      %dma_wait3A_1197 = arith.constant 0 : i32
      %dma_wait3A_1198 = tpu.memref_slice %arg8[%dma_wait3A_1195, %dma_wait3A_1196, %dma_wait3A_1197] : memref<2x520x64xf32, #tpu.memory_space<vmem>> -> memref<1x104x64xf32, #tpu.memory_space<vmem>>
      %dma_wait3A_1199 = tpu.memref_squeeze %dma_wait3A_1198 : memref<1x104x64xf32, #tpu.memory_space<vmem>> -> memref<104x64xf32, #tpu.memory_space<vmem>>
      %dma_wait3A_1200 = arith.constant 832 : i32
      %dma_wait3A_1201 = tpu.memref_slice %arg7[%rem3A_89, %dma_wait3A_1200] : memref<2x1040xi32, #tpu.memory_space<vmem>> -> memref<1x104xi32, #tpu.memory_space<vmem>>
      %dma_wait3A_1202 = tpu.memref_squeeze %dma_wait3A_1201 : memref<1x104xi32, #tpu.memory_space<vmem>> -> memref<104xi32, #tpu.memory_space<vmem>>
      %dma_wait3A_1203 = arith.constant 0 : i32
      %dma_wait3A_1204 = arith.constant 0 : i32
      %dma_wait3A_1205 = tpu.memref_slice %arg3[%dma_wait3A_1203, %dma_wait3A_1204] : memref<26000x64xf32, #tpu.memory_space<hbm>> -> memref<26000x64xf32, #tpu.memory_space<hbm>>
      tpu.wait_indirect_dma semaphore(%arg11 : memref<!tpu.dma_semaphore, #tpu.memory_space<semaphore_mem>>) src(%dma_wait3A_1205 : memref<26000x64xf32, #tpu.memory_space<hbm>>) dst(%dma_wait3A_1199 : memref<104x64xf32, #tpu.memory_space<vmem>>)
      %dma_wait3A_1206 = arith.constant 1 : i32
      %dma_wait3A_1207 = arith.constant 416 : i32
      %dma_wait3A_1208 = arith.constant 0 : i32
      %dma_wait3A_1209 = tpu.memref_slice %arg8[%dma_wait3A_1206, %dma_wait3A_1207, %dma_wait3A_1208] : memref<2x520x64xf32, #tpu.memory_space<vmem>> -> memref<1x104x64xf32, #tpu.memory_space<vmem>>
      %dma_wait3A_1210 = tpu.memref_squeeze %dma_wait3A_1209 : memref<1x104x64xf32, #tpu.memory_space<vmem>> -> memref<104x64xf32, #tpu.memory_space<vmem>>
      %dma_wait3A_1211 = arith.constant 936 : i32
      %dma_wait3A_1212 = tpu.memref_slice %arg7[%rem3A_89, %dma_wait3A_1211] : memref<2x1040xi32, #tpu.memory_space<vmem>> -> memref<1x104xi32, #tpu.memory_space<vmem>>
      %dma_wait3A_1213 = tpu.memref_squeeze %dma_wait3A_1212 : memref<1x104xi32, #tpu.memory_space<vmem>> -> memref<104xi32, #tpu.memory_space<vmem>>
      %dma_wait3A_1214 = arith.constant 0 : i32
      %dma_wait3A_1215 = arith.constant 0 : i32
      %dma_wait3A_1216 = tpu.memref_slice %arg3[%dma_wait3A_1214, %dma_wait3A_1215] : memref<26000x64xf32, #tpu.memory_space<hbm>> -> memref<26000x64xf32, #tpu.memory_space<hbm>>
      tpu.wait_indirect_dma semaphore(%arg11 : memref<!tpu.dma_semaphore, #tpu.memory_space<semaphore_mem>>) src(%dma_wait3A_1216 : memref<26000x64xf32, #tpu.memory_space<hbm>>) dst(%dma_wait3A_1210 : memref<104x64xf32, #tpu.memory_space<vmem>>)
      %mul3A_1217 = arith.constant 32 : i32
      %mul3A_1218 = arith.muli %scan3A_87, %mul3A_1217 : i32
      %add3A_1219 = arith.addi %mul3A_1218, %add3A : i32
      %mul3A_1220 = arith.constant 2 : i32
      %mul3A_1221 = arith.muli %mul3A_1220, %add3A_1219 : i32
      %add3A_1222 = arith.constant 1 : i32
      %add3A_1223 = arith.addi %mul3A_1221, %add3A_1222 : i32
      %mul3A_1224 = arith.constant 520 : i32
      %mul3A_1225 = arith.muli %add3A_1223, %mul3A_1224 : i32
      %multiple_of3A_1226 = tpu.assume_multiple %mul3A_1225, 520 : i32
      %dma_start3A_1227 = arith.constant 1 : i32
      %dma_start3A_1228 = arith.constant 0 : i32
      %dma_start3A_1229 = arith.constant 0 : i32
      %dma_start3A_1230 = tpu.memref_slice %arg8[%dma_start3A_1227, %dma_start3A_1228, %dma_start3A_1229] : memref<2x520x64xf32, #tpu.memory_space<vmem>> -> memref<1x520x64xf32, #tpu.memory_space<vmem>>
      %dma_start3A_1231 = tpu.memref_squeeze %dma_start3A_1230 : memref<1x520x64xf32, #tpu.memory_space<vmem>> -> memref<520x64xf32, #tpu.memory_space<vmem>>
      %dma_start3A_1232 = arith.constant 0 : i32
      %dma_start3A_1233 = tpu.memref_slice %arg5[%multiple_of3A_1226, %dma_start3A_1232] : memref<532480x64xf32, #tpu.memory_space<hbm>> -> memref<520x64xf32, #tpu.memory_space<hbm>>
      %dma_start3A_1234 = arith.constant 0 : i32
      %dma_start3A_1235 = tpu.memref_slice %arg5[%multiple_of3A_1226, %dma_start3A_1234] : memref<532480x64xf32, #tpu.memory_space<hbm>> -> memref<520x64xf32, #tpu.memory_space<hbm>>
      %dma_start3A_1236 = arith.constant 0 : i32
      %dma_start3A_1237 = arith.constant 0 : i32
      %dma_start3A_1238 = tpu.memref_slice %arg8[%dma_start3A_1227, %dma_start3A_1236, %dma_start3A_1237] : memref<2x520x64xf32, #tpu.memory_space<vmem>> -> memref<1x520x64xf32, #tpu.memory_space<vmem>>
      %dma_start3A_1239 = tpu.memref_squeeze %dma_start3A_1238 : memref<1x520x64xf32, #tpu.memory_space<vmem>> -> memref<520x64xf32, #tpu.memory_space<vmem>>
      tpu.enqueue_dma source(%dma_start3A_1239 : memref<520x64xf32, #tpu.memory_space<vmem>>) target(%dma_start3A_1235 : memref<520x64xf32, #tpu.memory_space<hbm>>) target_semaphore(%arg13 : memref<!tpu.dma_semaphore, #tpu.memory_space<semaphore_mem>>)
      %add3A_1240 = arith.constant 1 : i32
      %add3A_1241 = arith.addi %scan3A_87, %add3A_1240 : i32
      %sub3A_1242 = arith.constant 1 : i32
      %sub3A_1243 = arith.subi %sub3A_1242, %rem3A_89 : i32
      %min3A_1244 = arith.constant 15 : i32
      %min3A_1245 = arith.minsi %add3A_1241, %min3A_1244 : i32
      %mul3A_1246 = arith.constant 32 : i32
      %mul3A_1247 = arith.muli %min3A_1245, %mul3A_1246 : i32
      %add3A_1248 = arith.addi %mul3A_1247, %add3A : i32
      %mul3A_1249 = arith.constant 2 : i32
      %mul3A_1250 = arith.muli %mul3A_1249, %add3A_1248 : i32
      %mul3A_1251 = arith.constant 520 : i32
      %mul3A_1252 = arith.muli %mul3A_1250, %mul3A_1251 : i32
      %multiple_of3A_1253 = tpu.assume_multiple %mul3A_1252, 1040 : i32
      %dma_wait3A_1254 = arith.constant 0 : i32
      %dma_wait3A_1255 = tpu.memref_slice %arg6[%sub3A_1243, %dma_wait3A_1254] : memref<2x1040xi32, #tpu.memory_space<vmem>> -> memref<1x1040xi32, #tpu.memory_space<vmem>>
      %dma_wait3A_1256 = tpu.memref_squeeze %dma_wait3A_1255 : memref<1x1040xi32, #tpu.memory_space<vmem>> -> memref<1040xi32, #tpu.memory_space<vmem>>
      %dma_wait3A_1257 = tpu.memref_slice %arg2[%multiple_of3A_1253] : memref<532480xi32, #tpu.memory_space<hbm>> -> memref<1040xi32, #tpu.memory_space<hbm>>
      %dma_wait3A_1258 = arith.constant 0 : i32
      %dma_wait3A_1259 = tpu.memref_slice %arg6[%sub3A_1243, %dma_wait3A_1258] : memref<2x1040xi32, #tpu.memory_space<vmem>> -> memref<1x1040xi32, #tpu.memory_space<vmem>>
      %dma_wait3A_1260 = tpu.memref_squeeze %dma_wait3A_1259 : memref<1x1040xi32, #tpu.memory_space<vmem>> -> memref<1040xi32, #tpu.memory_space<vmem>>
      %dma_wait3A_1261 = tpu.memref_slice %arg2[%multiple_of3A_1253] : memref<532480xi32, #tpu.memory_space<hbm>> -> memref<1040xi32, #tpu.memory_space<hbm>>
      tpu.wait_dma2 semaphore(%arg14 : memref<!tpu.dma_semaphore, #tpu.memory_space<semaphore_mem>>) src(%dma_wait3A_1261 : memref<1040xi32, #tpu.memory_space<hbm>>) dst(%dma_wait3A_1260 : memref<1040xi32, #tpu.memory_space<vmem>>)
      %scan3A_1262 = arith.constant false
      scf.yield %scan3A_1262 : i1
    }
    %scan3A_42 = arith.constant 16 : i32
    %add3A_43 = arith.constant 0 : i32
    %add3A_44 = arith.addi %add3A_43, %add3A : i32
    %mul3A_45 = arith.constant 2 : i32
    %mul3A_46 = arith.muli %mul3A_45, %add3A_44 : i32
    %add3A_47 = arith.constant 0 : i32
    %add3A_48 = arith.addi %mul3A_46, %add3A_47 : i32
    %mul3A_49 = arith.constant 520 : i32
    %mul3A_50 = arith.muli %add3A_48, %mul3A_49 : i32
    %multiple_of3A_51 = tpu.assume_multiple %mul3A_50, 520 : i32
    %dma_wait3A_52 = arith.constant 0 : i32
    %dma_wait3A_53 = arith.constant 0 : i32
    %dma_wait3A_54 = arith.constant 0 : i32
    %dma_wait3A_55 = tpu.memref_slice %arg8[%dma_wait3A_52, %dma_wait3A_53, %dma_wait3A_54] : memref<2x520x64xf32, #tpu.memory_space<vmem>> -> memref<1x520x64xf32, #tpu.memory_space<vmem>>
    %dma_wait3A_56 = tpu.memref_squeeze %dma_wait3A_55 : memref<1x520x64xf32, #tpu.memory_space<vmem>> -> memref<520x64xf32, #tpu.memory_space<vmem>>
    %dma_wait3A_57 = arith.constant 0 : i32
    %dma_wait3A_58 = tpu.memref_slice %arg5[%multiple_of3A_51, %dma_wait3A_57] : memref<532480x64xf32, #tpu.memory_space<hbm>> -> memref<520x64xf32, #tpu.memory_space<hbm>>
    %dma_wait3A_59 = arith.constant 0 : i32
    %dma_wait3A_60 = tpu.memref_slice %arg5[%multiple_of3A_51, %dma_wait3A_59] : memref<532480x64xf32, #tpu.memory_space<hbm>> -> memref<520x64xf32, #tpu.memory_space<hbm>>
    %dma_wait3A_61 = arith.constant 0 : i32
    %dma_wait3A_62 = arith.constant 0 : i32
    %dma_wait3A_63 = tpu.memref_slice %arg8[%dma_wait3A_52, %dma_wait3A_61, %dma_wait3A_62] : memref<2x520x64xf32, #tpu.memory_space<vmem>> -> memref<1x520x64xf32, #tpu.memory_space<vmem>>
    %dma_wait3A_64 = tpu.memref_squeeze %dma_wait3A_63 : memref<1x520x64xf32, #tpu.memory_space<vmem>> -> memref<520x64xf32, #tpu.memory_space<vmem>>
    tpu.wait_dma2 semaphore(%arg12 : memref<!tpu.dma_semaphore, #tpu.memory_space<semaphore_mem>>) src(%dma_wait3A_64 : memref<520x64xf32, #tpu.memory_space<vmem>>) dst(%dma_wait3A_60 : memref<520x64xf32, #tpu.memory_space<hbm>>)
    %add3A_65 = arith.constant 0 : i32
    %add3A_66 = arith.addi %add3A_65, %add3A : i32
    %mul3A_67 = arith.constant 2 : i32
    %mul3A_68 = arith.muli %mul3A_67, %add3A_66 : i32
    %add3A_69 = arith.constant 1 : i32
    %add3A_70 = arith.addi %mul3A_68, %add3A_69 : i32
    %mul3A_71 = arith.constant 520 : i32
    %mul3A_72 = arith.muli %add3A_70, %mul3A_71 : i32
    %multiple_of3A_73 = tpu.assume_multiple %mul3A_72, 520 : i32
    %dma_wait3A_74 = arith.constant 1 : i32
    %dma_wait3A_75 = arith.constant 0 : i32
    %dma_wait3A_76 = arith.constant 0 : i32
    %dma_wait3A_77 = tpu.memref_slice %arg8[%dma_wait3A_74, %dma_wait3A_75, %dma_wait3A_76] : memref<2x520x64xf32, #tpu.memory_space<vmem>> -> memref<1x520x64xf32, #tpu.memory_space<vmem>>
    %dma_wait3A_78 = tpu.memref_squeeze %dma_wait3A_77 : memref<1x520x64xf32, #tpu.memory_space<vmem>> -> memref<520x64xf32, #tpu.memory_space<vmem>>
    %dma_wait3A_79 = arith.constant 0 : i32
    %dma_wait3A_80 = tpu.memref_slice %arg5[%multiple_of3A_73, %dma_wait3A_79] : memref<532480x64xf32, #tpu.memory_space<hbm>> -> memref<520x64xf32, #tpu.memory_space<hbm>>
    %dma_wait3A_81 = arith.constant 0 : i32
    %dma_wait3A_82 = tpu.memref_slice %arg5[%multiple_of3A_73, %dma_wait3A_81] : memref<532480x64xf32, #tpu.memory_space<hbm>> -> memref<520x64xf32, #tpu.memory_space<hbm>>
    %dma_wait3A_83 = arith.constant 0 : i32
    %dma_wait3A_84 = arith.constant 0 : i32
    %dma_wait3A_85 = tpu.memref_slice %arg8[%dma_wait3A_74, %dma_wait3A_83, %dma_wait3A_84] : memref<2x520x64xf32, #tpu.memory_space<vmem>> -> memref<1x520x64xf32, #tpu.memory_space<vmem>>
    %dma_wait3A_86 = tpu.memref_squeeze %dma_wait3A_85 : memref<1x520x64xf32, #tpu.memory_space<vmem>> -> memref<520x64xf32, #tpu.memory_space<vmem>>
    tpu.wait_dma2 semaphore(%arg13 : memref<!tpu.dma_semaphore, #tpu.memory_space<semaphore_mem>>) src(%dma_wait3A_86 : memref<520x64xf32, #tpu.memory_space<vmem>>) dst(%dma_wait3A_82 : memref<520x64xf32, #tpu.memory_space<hbm>>)
    return
  }
}

</mosaic_0001>

<sc_bundles>
// kernel: kernel.3.cloned.1.call-start
scs
__scs_entry_jumppad:
0x0: {  	(pc) =	sbr.rel $0x88, $3  }
0x1: {  	(tag) =	ssettag $0x0;
	lr =	simm.s32 $0x1  }
0x2: {  	[smem:$0x3F9F] =	sst lr;
	_ =	strace $0xD0000000  }
0x3: {  	_ = 	snop  }
0x4: {  	_ = 	snop  }
0x5: {  	_ = 	snop  }
0x6: {  	_ = 	snop  }
0x7: {  	_ = 	snop  }
__scs_overlays_trampoline_lowered:
0x8: {  	[smem:$0x3FAE] =	sst s0  }
0x9: {  	[smem:$0x3FAF] =	sst s1  }
0xa: {  	[smem:$0x3FB0] =	sst s2  }
0xb: {  	[smem:$0x3FB1] =	sst s3  }
0xc: {  	[smem:$0x3FB2] =	sst s4  }
0xd: {  	[smem:$0x3FB3] =	sst s5  }
0xe: {  	[smem:$0x3FB4] =	sst s6  }
0xf: {  	[smem:$0x3FB5] =	sst s7  }
0x10: {  	[smem:$0x3FB6] =	sst s8  }
0x11: {  	[smem:$0x3FB7] =	sst s9;
	s0 =	simm.s32 @!p0 $0x0  }
0x12: {  	s1 =	sld [smem:$0x3F9D];
	s0 =	simm.s32 @p0 $0x1  }
0x13: {  	[smem:$0x3FB8] =	sst s0;
	s0 =	simm.s32 @!p1 $0x0  }
0x14: {  	s2 =	sld [smem:$0x3F9C];
	s0 =	simm.s32 @p1 $0x1  }
0x15: {  	[smem:$0x3FB9] =	sst s0;
	s0 =	simm.s32 @!p2 $0x0  }
0x16: {  	s3 =	sld [smem:$0x3FDB];
	s0 =	simm.s32 @p2 $0x1  }
0x17: {  	s4 =	simm.s32 $0x1BF5;
	[smem:$0x3FBB] =	sst s0  }
0x18: {  	s0 =	sld [smem:$0x3F9E];
	_ =	swait.ge [sflag:s4], $0x0  }
0x19: {  	s7 =	sld [smem:$0x3F9F]  }
0x1a: {  	s8 =	sadd.s32 $0xFFFFE003, lr  }
0x1b: {  	s9 =	sadd.s32 $0xFFFFFEF7, lr;
	s5 =	simm.s32 $0xFFFFFFFF;
	p2 =	slt.u32 s8, $0xFFFFF086  }
0x1c: {  	p1 =	slt.u32 s9, $0xF7A;
	s5 =	simm.s32 @!p2 $0x0  }
0x1d: {  	s5 =	simm.s32 @p1 $0x1;
	p0 =	seq.s32 s7, s2  }
0x1e: {  	s7 =	smul.u32 @!p0 $0xF7A, s2;
	p2 =	seq.s32 @!p0 s5, $0x0  }
0x1f: {  	s9 =	smul.u32 $0xF7A, s1;
	s8 =	simm.s32 @!p0 $0x1BF5;
	p2 =	por !p2, p0  }
0x20: {  	[sflag:s8] =	ssyncset.s32 @!p0 $0xFFFFF086;
	s6 =	sadd.s32 @!p0 s3, s7;
	s7 =	simm.s32 @!p0 $0x108  }
0x21: {  	s3 =	sadd.s32 s3, s9;
	s6 =	sadd.s32 @!p0 $0x88, s6;
	s7 =	simm.s32 @p2 $0x1082  }
0x22: {  	[simem:s7], [sflag:s8] =	dma.local @!p0 [hbm:s6], $0xF7A  }
0x23: {  	s9 =	sor.u32 $0xD0000000, s2;
	s6 =	simm.s32 $0x108;
	_ =	swait.ge @!p0 [sflag:s8], $0x0  }
0x24: {  	s3 =	sadd.s32 $0x88, s3;
	s6 =	simm.s32 @!p1 $0x1082;
	[sflag:s4] =	ssyncset.s32 $0xFFFFF086  }
0x25: {  	[simem:s6], [sflag:s4] =	dma.local [hbm:s3], $0xF7A  }
0x26: {  	[smem:$0x3F9F] =	sst s1;
	(tag) =	ssettag s2;
	_ =	strace s9  }
0x27: {  	s1 =	sld [smem:$0x3FAF]  }
0x28: {  	s2 =	sld [smem:$0x3FB0]  }
0x29: {  	s4 =	sld [smem:$0x3FB2]  }
0x2a: {  	p0 =	seq.s32 s5, $0x0;
	s5 =	sld [smem:$0x3FB3]  }
0x2b: {  	s6 =	sld [smem:$0x3FB4]  }
0x2c: {  	s7 =	sld [smem:$0x3FB5]  }
0x2d: {  	s3 =	simm.s32 $0x108;
	s8 =	sld [smem:$0x3FB6]  }
0x2e: {  	s3 =	simm.s32 @!p0 $0x1082;
	s9 =	sld [smem:$0x3FB7]  }
0x2f: {  	lr =	sadd.s32 s0, s3;
	s0 =	sld [smem:$0x3FAE]  }
0x30: {  	s3 =	sld [smem:$0x3FB1]  }
0x31: {  	[smem:$0x3FBA] =	sst s10  }
0x32: {  	s10 =	sld [smem:$0x3FB8];
	_ =	sdelay $0x3  }
0x33: {  	p0 =	seq.s32 s10, $0x1;
	s10 =	sld [smem:$0x3FBA];
	_ =	sdelay $0x3  }
0x34: {  	[smem:$0x3FBA] =	sst s10  }
0x35: {  	s10 =	sld [smem:$0x3FB9];
	_ =	sdelay $0x3  }
0x36: {  	p1 =	seq.s32 s10, $0x1;
	s10 =	sld [smem:$0x3FBA];
	_ =	sdelay $0x3  }
0x37: {  	[smem:$0x3FBA] =	sst s10  }
0x38: {  	s10 =	sld [smem:$0x3FBB]  }
0x39: {  	_ = 	snop;
	(pc) =	sbr.ind lr, $3  }
0x3a: {  	_ = 	snop  }
0x3b: {  	_ = 	snop  }
0x3c: {  	p2 =	seq.s32 s10, $0x1;
	s10 =	sld [smem:$0x3FBA]  }
0x3d: {  	_ =	shalt  }
0x3e: {  	_ =	shalt  }
0x3f: {  	_ =	shalt  }
0x40: {  	_ =	shalt  }
0x41: {  	_ =	shalt  }
0x42: {  	_ =	shalt  }
0x43: {  	_ =	shalt  }
0x44: {  	_ =	shalt  }
0x45: {  	_ =	shalt  }
0x46: {  	_ =	shalt  }
0x47: {  	_ =	shalt  }
0x48: {  	_ =	shalt  }
0x49: {  	_ =	shalt  }
0x4a: {  	_ =	shalt  }
0x4b: {  	_ =	shalt  }
0x4c: {  	_ =	shalt  }
0x4d: {  	_ =	shalt  }
0x4e: {  	_ =	shalt  }
0x4f: {  	_ =	shalt  }
0x50: {  	_ =	shalt  }
0x51: {  	_ =	shalt  }
0x52: {  	_ =	shalt  }
0x53: {  	_ =	shalt  }
0x54: {  	_ =	shalt  }
0x55: {  	_ =	shalt  }
0x56: {  	_ =	shalt  }
0x57: {  	_ =	shalt  }
0x58: {  	_ =	shalt  }
0x59: {  	_ =	shalt  }
0x5a: {  	_ =	shalt  }
0x5b: {  	_ =	shalt  }
0x5c: {  	_ =	shalt  }
0x5d: {  	_ =	shalt  }
0x5e: {  	_ =	shalt  }
0x5f: {  	_ =	shalt  }
0x60: {  	_ =	shalt  }
0x61: {  	_ =	shalt  }
0x62: {  	_ =	shalt  }
0x63: {  	_ =	shalt  }
0x64: {  	_ =	shalt  }
0x65: {  	_ =	shalt  }
0x66: {  	_ =	shalt  }
0x67: {  	_ =	shalt  }
0x68: {  	_ =	shalt  }
0x69: {  	_ =	shalt  }
0x6a: {  	_ =	shalt  }
0x6b: {  	_ =	shalt  }
0x6c: {  	_ =	shalt  }
0x6d: {  	_ =	shalt  }
0x6e: {  	_ =	shalt  }
0x6f: {  	_ =	shalt  }
0x70: {  	_ =	shalt  }
0x71: {  	_ =	shalt  }
0x72: {  	_ =	shalt  }
0x73: {  	_ =	shalt  }
0x74: {  	_ =	shalt  }
0x75: {  	_ =	shalt  }
0x76: {  	_ =	shalt  }
0x77: {  	_ =	shalt  }
0x78: {  	_ =	shalt  }
0x79: {  	_ =	shalt  }
0x7a: {  	_ =	shalt  }
0x7b: {  	_ =	shalt  }
0x7c: {  	_ =	shalt  }
0x7d: {  	_ =	shalt  }
0x7e: {  	_ =	shalt  }
0x7f: {  	_ =	shalt  }
0x80: {  	_ =	shalt  }
0x81: {  	_ =	shalt  }
0x82: {  	_ =	shalt  }
0x83: {  	_ =	shalt  }
0x84: {  	_ =	shalt  }
0x85: {  	_ =	shalt  }
0x86: {  	_ =	shalt  }
0x87: {  	_ =	shalt  }
.Lfunc_end0:
.L_simem_size_0:
called_computation_lowered:
.L_overlay_start_0:
0x88: {  	s2 =	sld [smem:$0x3FD9]  }
0x89: {  	s3 =	sld [smem:$0x3FFE];
	_ =	sdelay $0x1  }
0x8a: {  	s1 =	srdreg.scid  }
0x8b: {  	s0 =	sand.u32 $0x1, s1  }
0x8c: {  	s17 =	sshll.u32 s0, $0xA;
	s2 =	sadd.s32 s3, s2  }
0x8d: {  	s2 =	sadd.s32 s2, s17  }
0x8e: {  	[smem:$0x3FC6] =	sst s2  }
0x8f: {  	_ = 	snop  }
0x90: {  	s2 =	sld [smem:$0x3FD0];
	(tm) =	ssettm $0x1  }
0x91: {  	s18 =	sld [smem:$0x3FFB];
	_ =	sdelay $0x3  }
0x92: {  	_ =	strace s18  }
0x93: {  	s3 =	sld [smem:$0x3FFC];
	_ =	sdelay $0x3  }
0x94: {  	_ =	strace s3  }
0x95: {  	s3 =	sld [smem:$0x3FFD];
	_ =	sdelay $0x3  }
0x96: {  	_ =	strace s3  }
0x97: {  	_ =	strace $0x8FFFFFFF  }
0x98: {  	s19 =	sld [smem:$0x3FDB];
	_ =	sdelay $0x1  }
0x99: {  	s4 =	simm.s32 $_scs_section_size  }
0x9a: {  	s5 =	simm.s32 $_size__tile_overlayer_lowered;
	s6 =	simm.s32 $_tile_overlayer_lowered  }
0x9b: {  	s22 =	simm.s32 $0x1BFF;
	s21 =	sshll.u32 s6, $0x1;
	s3 =	sadd.s32 s4, s19  }
0x9c: {  	s7 =	simm.s32 $0x0;
	s20 =	sshll.u32 s5, $0x1;
	s5 =	sadd.s32 s21, s3  }
0x9d: {  	[timem:s7], [sflag:s22] =	dma.local [hbm:s5], s20  }
0x9e: {  	_ =	swait.ge [sflag:s22], s20  }
0x9f: {  	s4 =	ssub.s32 $0x0, s20;
	[sflag:s22] =	ssyncset.done $0x0  }
0xa0: {  	[sflag:s22] =	ssyncadd.s32 s4;
	_ =	sdelay $0x1  }
0xa1: {  	s23 =	simm.s32 $0x1B8B  }
0xa2: {  	_ =	swait.ge [sflag:s23], $0x1  }
0xa3: {  	[sflag:s23] =	ssyncset.done $0x0  }
0xa4: {  	s25 =	simm.s32 $0x1B8E;
	s24 =	sld [smem:$0x3FFE];
	[sflag:s23] =	ssyncadd.s32 $0xFFFFFFFF  }
0xa5: {  	s26 =	simm.s32 $execute0_lowered;
	[smem:$0x3FD2] =	sst s25  }
0xa6: {  	s5 =	sshll.u32 s26, $0x1;
	_ =	strace $0x80000046;
	[dreg:$0x1] =	wrdreg $0xFFFFFFFF  }
0xa7: {  	s28 =	simm.s32 $_size_execute0_lowered;
	s3 =	sadd.s32 s3, s5;
	[dreg:$0x0] =	wrdreg $0x0  }
0xa8: {  	s5 =	sshll.u32 s28, $0x1;
	[dreg:$0x2] =	wrdreg s3  }
0xa9: {  	[dreg:$0x3] =	wrdreg s5  }
0xaa: {  	[dreg:$0x4] =	wrdreg $0xC0  }
0xab: {  	_ =	task [dreg:s7], $0x5FFFF  }
0xac: {  	[dreg:$0x1] =	wrdreg $0xFFFFFFFF  }
0xad: {  	[dreg:$0x0] =	wrdreg $0x60  }
0xae: {  	[dreg:$0x2] =	wrdreg s24  }
0xaf: {  	[dreg:$0x3] =	wrdreg s2  }
0xb0: {  	[dreg:$0x4] =	wrdreg $0x9  }
0xb1: {  	_ =	task.clear_ibuf [dreg:s7], $0x5FFFF;
	_ =	strace $0x90000046  }
0xb2: {  	s29 =	simm.s32 $0x9;
	_ =	strace $0x80000048  }
0xb3: {  	_ =	swait.ge [sflag:s29], $0x1  }
0xb4: {  	[sflag:s29] =	ssyncadd.s32 $0xFFFFFFFF  }
0xb5: {  	_ =	strace $0x90000048  }
0xb6: {  	_ =	sfence  }
0xb7: {  	s30 =	sld [smem:$0x0];
	_ =	sdelay $0x2  }
0xb8: {  	s31 =	sshll.u32 s1, $0xD;
	s1 =	sshrl.u32 s1, $0x2  }
0xb9: {  	s3 =	sand.u32 $0x4000, s31;
	s1 =	sadd.s32 s1, s30  }
0xba: {  	s0 =	sor.u32 s3, s0;
	s1 =	sshll.u32 s1, $0x11  }
0xbb: {  	s0 =	sor.u32 s1, s0  }
0xbc: {  	s0 =	sadd.s32 $0x8F2B, s0  }
0xbd: {  	[sflag:s0] =	ssyncadd.remote.s32 $0x1  }
0xbe: {  	_ =	sfence.sel $0xFFFF  }
0xbf: {  	[dreg:$0x0] =	wrdreg $0xFFFFFFFF;
	(pc) =	sbr.abs _section_cstart, $3  }
0xc0: {  	[dreg:$0x1] =	wrdreg $0xFFFFFFFF  }
0xc1: {  	_ =	task.clear_ibuf [dreg:s7], $0x2FFFF;
	_ =	strace $0x9FFFFFFF  }
0xc2: {  	(tm) =	ssettm $0x7FFFFFFF  }
0xc3: {  	_ =	shalt  }
tec
execute0_lowered:
.L_overlay_start_1:
0x0: {  	(tag) =	ssettag $0x1  }
0x1: {  	s7 =	rddreg [dreg:$0x0]  }
0x2: {  	s2 =	rddreg [dreg:$0x1]  }
0x3: {  	s0 =	rddreg [dreg:$0x2]  }
0x4: {  	s1 =	stileid.u32;
	s4 =	srdreg.scid  }
0x5: {  	s3 =	simm.s32 $0x0;
	s30 =	simm.s32 $0xAC40;
	s31 =	simm.s32 $0xC640  }
0x6: {  	s14 =	simm.s32 $0xE040;
	s15 =	simm.s32 $0xFA40;
	s16 =	simm.s32 $0x1040  }
0x7: {  	s17 =	simm.s32 $0x3;
	s18 =	simm.s32 $0x4;
	s19 =	simm.s32 $0x0  }
0x8: {  	s6 =	sand.u32 $0x1, s4;
	s26 =	sshll.u32 s1, $0x1;
	[smem:$0x7FF] =	sst s3  }
0x9: {  	s8 =	smul.u32 $0x4100, s1;
	_ =	strace $0x80000047;
	[dreg:$0x3] =	wrdreg s30  }
0xa: {  	s5 =	sadd.s32 $0x800, s7;
	s4 =	sor.u32 s6, s26;
	[dreg:$0x4] =	wrdreg s31  }
0xb: {  	s9 =	ssub.s32 $0x2, s6;
	s12 =	smul.u32 $0x2080, s6;
	[dreg:$0x5] =	wrdreg s14  }
0xc: {  	s6 =	sadd.s32 $0x600, s7;
	s14 =	simm.s32 $0x9240;
	[dreg:$0x6] =	wrdreg s15  }
0xd: {  	s15 =	simm.s32 $0x1;
	[dreg:$0x7] =	wrdreg s16;
	s16 =	simm.s32 $0x2  }
0xe: {  	s10 =	smul.u32 $0x82, s4;
	s11 =	sshrl.u32 s9, $0x1;
	s13 =	sadd.s32 s8, s7  }
0xf: {  	s28 =	ssub.s32 s9, s11;
	s29 =	sadd.s32 s12, s13;
	s11 =	simm.s32 $0x6  }
0x10: {  	s12 =	simm.s32 $0x5;
	s13 =	simm.s32 $0x68;
	s7 =	sadd.s32 s5, s10  }
0x11: {  	s8 =	smax.u32 s28, $0x1;
	s9 =	sadd.s32 $0x11C40, s29;
	s10 =	simm.s32 $0x11440  }
.LBB2_1:
0x12: {  	[tilespmem:s10], [sflag:$0x6] =	stream.linear.gather [hbm4b:s6+s3], $0x208, $0x38;
	[tilespmem:$0x11648] =	vst v63  }
0x13: {  	_ =	swait.ge [sflag:s11], $0x208  }
0x14: {  	[sflag:s11] =	ssyncset.done $0x0  }
0x15: {  	[sflag:s11] =	ssyncadd.s32 $0xFFFFFDF8  }
0x16: {  	[tilespmem:s3], [sflag:$0x5] =	stream.linear.gather [hbm4b:s7+s3], $0x410, $0x38;
	[tilespmem:$0x11648] =	vst v63  }
0x17: {  	_ =	swait.ge [sflag:s12], $0x410  }
0x18: {  	p0 =	por $0x0, $0x0;
	[sflag:s12] =	ssyncset.done $0x0  }
0x19: {  	s20 =	smov.u32 s9;
	s22 =	simm.s32 $0x0;
	[sflag:s12] =	ssyncadd.s32 $0xFFFFFBF0  }
.LBB2_2:
0x1a: {  	s21 =	sadd.s32 $0x1, s22  }
0x1b: {  	s26 =	sand.u32 $0x1, s22;
	s23 =	smin.u32 s21, $0xF  }
0x1c: {  	s24 =	sxor.u32 $0x1, s26;
	s23 =	sshll.u32 s23, $0x5  }
0x1d: {  	s24 =	smul.u32 $0x1040, s24;
	s23 =	sor.u32 s4, s23  }
0x1e: {  	s23 =	smul.u32 $0x82, s23;
	_ =	sdelay $0x1  }
0x1f: {  	s22 =	smul.u32 $0x410, s26;
	s24 =	sshrl.u32 s24, $0x2;
	s23 =	sadd.s32 s5, s23  }
0x20: {  	[tilespmem:s24], [sflag:$0x5] =	stream.linear.gather [hbm4b:s23+s3], $0x410, $0x38;
	[tilespmem:$0x11648] =	vst v63  }
0x21: {  	v0 =	vld [tilespmem:$0x11440]  }
0x22: {  	v1 =	vld [tilespmem:s22+$0x0];
	_ =	sdelay $0x4  }
0x23: {  	v0 =	vadd.s32 v0, v1  }
0x24: {  	v59 =	vld [tilespmem:s22+$0x10];
	[tilespmem:s22+$0x820] =	vst v0  }
0x25: {  	v0 =	vld [tilespmem:$0x11450];
	_ =	sdelay $0x4  }
0x26: {  	v0 =	vadd.s32 v0, v59  }
0x27: {  	v60 =	vld [tilespmem:s22+$0x20];
	[tilespmem:s22+$0x830] =	vst v0  }
0x28: {  	v0 =	vld [tilespmem:$0x11460];
	_ =	sdelay $0x4  }
0x29: {  	v0 =	vadd.s32 v0, v60  }
0x2a: {  	v61 =	vld [tilespmem:s22+$0x30];
	[tilespmem:s22+$0x840] =	vst v0  }
0x2b: {  	v0 =	vld [tilespmem:$0x11470];
	_ =	sdelay $0x4  }
0x2c: {  	v0 =	vadd.s32 v0, v61  }
0x2d: {  	v62 =	vld [tilespmem:s22+$0x40];
	[tilespmem:s22+$0x850] =	vst v0  }
0x2e: {  	v0 =	vld [tilespmem:$0x11480];
	_ =	sdelay $0x4  }
0x2f: {  	v0 =	vadd.s32 v0, v62  }
0x30: {  	v63 =	vld [tilespmem:s22+$0x50];
	[tilespmem:s22+$0x860] =	vst v0  }
0x31: {  	v0 =	vld [tilespmem:$0x11490];
	_ =	sdelay $0x4  }
0x32: {  	v0 =	vadd.s32 v0, v63  }
0x33: {  	v4 =	vld [tilespmem:s22+$0x60];
	[tilespmem:s22+$0x870] =	vst v0  }
0x34: {  	v0 =	vld [tilespmem:$0x114A0];
	_ =	sdelay $0x4  }
0x35: {  	v0 =	vadd.s32 v0, v4  }
0x36: {  	v5 =	vld [tilespmem:s22+$0x70];
	[tilespmem:s22+$0x880] =	vst v0  }
0x37: {  	v0 =	vld [tilespmem:$0x114B0];
	_ =	sdelay $0x4  }
0x38: {  	v0 =	vadd.s32 v0, v5  }
0x39: {  	v6 =	vld [tilespmem:s22+$0x80];
	[tilespmem:s22+$0x890] =	vst v0  }
0x3a: {  	v0 =	vld [tilespmem:$0x114C0];
	_ =	sdelay $0x4  }
0x3b: {  	v0 =	vadd.s32 v0, v6  }
0x3c: {  	v7 =	vld [tilespmem:s22+$0x90];
	[tilespmem:s22+$0x8A0] =	vst v0  }
0x3d: {  	v0 =	vld [tilespmem:$0x114D0];
	_ =	sdelay $0x4  }
0x3e: {  	v0 =	vadd.s32 v0, v7  }
0x3f: {  	v8 =	vld [tilespmem:s22+$0xA0];
	[tilespmem:s22+$0x8B0] =	vst v0  }
0x40: {  	v0 =	vld [tilespmem:$0x114E0];
	_ =	sdelay $0x4  }
0x41: {  	v0 =	vadd.s32 v0, v8  }
0x42: {  	v9 =	vld [tilespmem:s22+$0xB0];
	[tilespmem:s22+$0x8C0] =	vst v0  }
0x43: {  	v0 =	vld [tilespmem:$0x114F0];
	_ =	sdelay $0x4  }
0x44: {  	v0 =	vadd.s32 v0, v9  }
0x45: {  	v10 =	vld [tilespmem:s22+$0xC0];
	[tilespmem:s22+$0x8D0] =	vst v0  }
0x46: {  	v0 =	vld [tilespmem:$0x11500];
	_ =	sdelay $0x4  }
0x47: {  	v0 =	vadd.s32 v0, v10  }
0x48: {  	v11 =	vld [tilespmem:s22+$0xD0];
	[tilespmem:s22+$0x8E0] =	vst v0  }
0x49: {  	v0 =	vld [tilespmem:$0x11510];
	_ =	sdelay $0x4  }
0x4a: {  	v0 =	vadd.s32 v0, v11  }
0x4b: {  	v12 =	vld [tilespmem:s22+$0xE0];
	[tilespmem:s22+$0x8F0] =	vst v0  }
0x4c: {  	v0 =	vld [tilespmem:$0x11520];
	_ =	sdelay $0x4  }
0x4d: {  	v0 =	vadd.s32 v0, v12  }
0x4e: {  	v13 =	vld [tilespmem:s22+$0xF0];
	[tilespmem:s22+$0x900] =	vst v0  }
0x4f: {  	v0 =	vld [tilespmem:$0x11530];
	_ =	sdelay $0x4  }
0x50: {  	v0 =	vadd.s32 v0, v13  }
0x51: {  	v14 =	vld [tilespmem:s22+$0x100];
	[tilespmem:s22+$0x910] =	vst v0  }
0x52: {  	v0 =	vld [tilespmem:$0x11540];
	_ =	sdelay $0x4  }
0x53: {  	v0 =	vadd.s32 v0, v14  }
0x54: {  	v15 =	vld [tilespmem:s22+$0x110];
	[tilespmem:s22+$0x920] =	vst v0  }
0x55: {  	v0 =	vld [tilespmem:$0x11550];
	_ =	sdelay $0x4  }
0x56: {  	v0 =	vadd.s32 v0, v15  }
0x57: {  	v16 =	vld [tilespmem:s22+$0x120];
	[tilespmem:s22+$0x930] =	vst v0  }
0x58: {  	v0 =	vld [tilespmem:$0x11560];
	_ =	sdelay $0x4  }
0x59: {  	v0 =	vadd.s32 v0, v16  }
0x5a: {  	v17 =	vld [tilespmem:s22+$0x130];
	[tilespmem:s22+$0x940] =	vst v0  }
0x5b: {  	v0 =	vld [tilespmem:$0x11570];
	_ =	sdelay $0x4  }
0x5c: {  	v0 =	vadd.s32 v0, v17  }
0x5d: {  	v18 =	vld [tilespmem:s22+$0x140];
	[tilespmem:s22+$0x950] =	vst v0  }
0x5e: {  	v0 =	vld [tilespmem:$0x11580];
	_ =	sdelay $0x4  }
0x5f: {  	v0 =	vadd.s32 v0, v18  }
0x60: {  	v19 =	vld [tilespmem:s22+$0x150];
	[tilespmem:s22+$0x960] =	vst v0  }
0x61: {  	v0 =	vld [tilespmem:$0x11590];
	_ =	sdelay $0x4  }
0x62: {  	v0 =	vadd.s32 v0, v19  }
0x63: {  	v20 =	vld [tilespmem:s22+$0x160];
	[tilespmem:s22+$0x970] =	vst v0  }
0x64: {  	v0 =	vld [tilespmem:$0x115A0];
	_ =	sdelay $0x4  }
0x65: {  	v0 =	vadd.s32 v0, v20  }
0x66: {  	v21 =	vld [tilespmem:s22+$0x170];
	[tilespmem:s22+$0x980] =	vst v0  }
0x67: {  	v0 =	vld [tilespmem:$0x115B0];
	_ =	sdelay $0x4  }
0x68: {  	v0 =	vadd.s32 v0, v21  }
0x69: {  	v22 =	vld [tilespmem:s22+$0x180];
	[tilespmem:s22+$0x990] =	vst v0  }
0x6a: {  	v0 =	vld [tilespmem:$0x115C0];
	_ =	sdelay $0x4  }
0x6b: {  	v0 =	vadd.s32 v0, v22  }
0x6c: {  	v23 =	vld [tilespmem:s22+$0x190];
	[tilespmem:s22+$0x9A0] =	vst v0  }
0x6d: {  	v0 =	vld [tilespmem:$0x115D0];
	_ =	sdelay $0x4  }
0x6e: {  	v0 =	vadd.s32 v0, v23  }
0x6f: {  	v24 =	vld [tilespmem:s22+$0x1A0];
	[tilespmem:s22+$0x9B0] =	vst v0  }
0x70: {  	v0 =	vld [tilespmem:$0x115E0];
	_ =	sdelay $0x4  }
0x71: {  	v0 =	vadd.s32 v0, v24  }
0x72: {  	v25 =	vld [tilespmem:s22+$0x1B0];
	[tilespmem:s22+$0x9C0] =	vst v0  }
0x73: {  	v0 =	vld [tilespmem:$0x115F0];
	_ =	sdelay $0x4  }
0x74: {  	v0 =	vadd.s32 v0, v25  }
0x75: {  	v26 =	vld [tilespmem:s22+$0x1C0];
	[tilespmem:s22+$0x9D0] =	vst v0  }
0x76: {  	v0 =	vld [tilespmem:$0x11600];
	_ =	sdelay $0x4  }
0x77: {  	v0 =	vadd.s32 v0, v26  }
0x78: {  	v27 =	vld [tilespmem:s22+$0x1D0];
	[tilespmem:s22+$0x9E0] =	vst v0  }
0x79: {  	v0 =	vld [tilespmem:$0x11610];
	_ =	sdelay $0x4  }
0x7a: {  	v0 =	vadd.s32 v0, v27  }
0x7b: {  	v28 =	vld [tilespmem:s22+$0x1E0];
	[tilespmem:s22+$0x9F0] =	vst v0  }
0x7c: {  	v0 =	vld [tilespmem:$0x11620];
	_ =	sdelay $0x4  }
0x7d: {  	v0 =	vadd.s32 v0, v28  }
0x7e: {  	v29 =	vld [tilespmem:s22+$0x1F0];
	[tilespmem:s22+$0xA00] =	vst v0  }
0x7f: {  	v0 =	vld [tilespmem:$0x11630];
	_ =	sdelay $0x4  }
0x80: {  	v0 =	vadd.s32 v0, v29  }
0x81: {  	v30 =	vld [tilespmem:s22+$0x1F8];
	[tilespmem:s22+$0xA10] =	vst v0  }
0x82: {  	v0 =	vld [tilespmem:$0x11638];
	_ =	sdelay $0x4  }
0x83: {  	v0 =	vadd.s32 v0, v30  }
0x84: {  	v31 =	vld [tilespmem:s22+$0x208];
	[tilespmem:s22+$0xA18] =	vst v0  }
0x85: {  	v0 =	vld [tilespmem:$0x11440];
	_ =	sdelay $0x4  }
0x86: {  	v0 =	vadd.s32 v0, v31  }
0x87: {  	v32 =	vld [tilespmem:s22+$0x218];
	[tilespmem:s22+$0xA28] =	vst v0  }
0x88: {  	v0 =	vld [tilespmem:$0x11450];
	_ =	sdelay $0x4  }
0x89: {  	v0 =	vadd.s32 v0, v32  }
0x8a: {  	v33 =	vld [tilespmem:s22+$0x228];
	[tilespmem:s22+$0xA38] =	vst v0  }
0x8b: {  	v0 =	vld [tilespmem:$0x11460];
	_ =	sdelay $0x4  }
0x8c: {  	v0 =	vadd.s32 v0, v33  }
0x8d: {  	v34 =	vld [tilespmem:s22+$0x238];
	[tilespmem:s22+$0xA48] =	vst v0  }
0x8e: {  	v0 =	vld [tilespmem:$0x11470];
	_ =	sdelay $0x4  }
0x8f: {  	v0 =	vadd.s32 v0, v34  }
0x90: {  	v35 =	vld [tilespmem:s22+$0x248];
	[tilespmem:s22+$0xA58] =	vst v0  }
0x91: {  	v0 =	vld [tilespmem:$0x11480];
	_ =	sdelay $0x4  }
0x92: {  	v0 =	vadd.s32 v0, v35  }
0x93: {  	v36 =	vld [tilespmem:s22+$0x258];
	[tilespmem:s22+$0xA68] =	vst v0  }
0x94: {  	v0 =	vld [tilespmem:$0x11490];
	_ =	sdelay $0x4  }
0x95: {  	v0 =	vadd.s32 v0, v36  }
0x96: {  	v37 =	vld [tilespmem:s22+$0x268];
	[tilespmem:s22+$0xA78] =	vst v0  }
0x97: {  	v0 =	vld [tilespmem:$0x114A0];
	_ =	sdelay $0x4  }
0x98: {  	v0 =	vadd.s32 v0, v37  }
0x99: {  	v38 =	vld [tilespmem:s22+$0x278];
	[tilespmem:s22+$0xA88] =	vst v0  }
0x9a: {  	v0 =	vld [tilespmem:$0x114B0];
	_ =	sdelay $0x4  }
0x9b: {  	v0 =	vadd.s32 v0, v38  }
0x9c: {  	v39 =	vld [tilespmem:s22+$0x288];
	[tilespmem:s22+$0xA98] =	vst v0  }
0x9d: {  	v0 =	vld [tilespmem:$0x114C0];
	_ =	sdelay $0x4  }
0x9e: {  	v0 =	vadd.s32 v0, v39  }
0x9f: {  	v40 =	vld [tilespmem:s22+$0x298];
	[tilespmem:s22+$0xAA8] =	vst v0  }
0xa0: {  	v0 =	vld [tilespmem:$0x114D0];
	_ =	sdelay $0x4  }
0xa1: {  	v0 =	vadd.s32 v0, v40  }
0xa2: {  	v41 =	vld [tilespmem:s22+$0x2A8];
	[tilespmem:s22+$0xAB8] =	vst v0  }
0xa3: {  	v0 =	vld [tilespmem:$0x114E0];
	_ =	sdelay $0x4  }
0xa4: {  	v0 =	vadd.s32 v0, v41  }
0xa5: {  	v42 =	vld [tilespmem:s22+$0x2B8];
	[tilespmem:s22+$0xAC8] =	vst v0  }
0xa6: {  	v0 =	vld [tilespmem:$0x114F0];
	_ =	sdelay $0x4  }
0xa7: {  	v0 =	vadd.s32 v0, v42  }
0xa8: {  	v43 =	vld [tilespmem:s22+$0x2C8];
	[tilespmem:s22+$0xAD8] =	vst v0  }
0xa9: {  	v0 =	vld [tilespmem:$0x11500];
	_ =	sdelay $0x4  }
0xaa: {  	v0 =	vadd.s32 v0, v43  }
0xab: {  	v44 =	vld [tilespmem:s22+$0x2D8];
	[tilespmem:s22+$0xAE8] =	vst v0  }
0xac: {  	v0 =	vld [tilespmem:$0x11510];
	_ =	sdelay $0x4  }
0xad: {  	v0 =	vadd.s32 v0, v44  }
0xae: {  	v45 =	vld [tilespmem:s22+$0x2E8];
	[tilespmem:s22+$0xAF8] =	vst v0  }
0xaf: {  	v0 =	vld [tilespmem:$0x11520];
	_ =	sdelay $0x4  }
0xb0: {  	v0 =	vadd.s32 v0, v45  }
0xb1: {  	v46 =	vld [tilespmem:s22+$0x2F8];
	[tilespmem:s22+$0xB08] =	vst v0  }
0xb2: {  	v0 =	vld [tilespmem:$0x11530];
	_ =	sdelay $0x4  }
0xb3: {  	v0 =	vadd.s32 v0, v46  }
0xb4: {  	v47 =	vld [tilespmem:s22+$0x308];
	[tilespmem:s22+$0xB18] =	vst v0  }
0xb5: {  	v0 =	vld [tilespmem:$0x11540];
	_ =	sdelay $0x4  }
0xb6: {  	v0 =	vadd.s32 v0, v47  }
0xb7: {  	v48 =	vld [tilespmem:s22+$0x318];
	[tilespmem:s22+$0xB28] =	vst v0  }
0xb8: {  	v0 =	vld [tilespmem:$0x11550];
	_ =	sdelay $0x4  }
0xb9: {  	v0 =	vadd.s32 v0, v48  }
0xba: {  	v49 =	vld [tilespmem:s22+$0x328];
	[tilespmem:s22+$0xB38] =	vst v0  }
0xbb: {  	v0 =	vld [tilespmem:$0x11560];
	_ =	sdelay $0x4  }
0xbc: {  	v0 =	vadd.s32 v0, v49  }
0xbd: {  	v50 =	vld [tilespmem:s22+$0x338];
	[tilespmem:s22+$0xB48] =	vst v0  }
0xbe: {  	v0 =	vld [tilespmem:$0x11570];
	_ =	sdelay $0x4  }
0xbf: {  	v0 =	vadd.s32 v0, v50  }
0xc0: {  	v51 =	vld [tilespmem:s22+$0x348];
	[tilespmem:s22+$0xB58] =	vst v0  }
0xc1: {  	v0 =	vld [tilespmem:$0x11580];
	_ =	sdelay $0x4  }
0xc2: {  	v0 =	vadd.s32 v0, v51  }
0xc3: {  	v52 =	vld [tilespmem:s22+$0x358];
	[tilespmem:s22+$0xB68] =	vst v0  }
0xc4: {  	v0 =	vld [tilespmem:$0x11590];
	_ =	sdelay $0x4  }
0xc5: {  	v0 =	vadd.s32 v0, v52  }
0xc6: {  	v53 =	vld [tilespmem:s22+$0x368];
	[tilespmem:s22+$0xB78] =	vst v0  }
0xc7: {  	v0 =	vld [tilespmem:$0x115A0];
	_ =	sdelay $0x4  }
0xc8: {  	v0 =	vadd.s32 v0, v53  }
0xc9: {  	v54 =	vld [tilespmem:s22+$0x378];
	[tilespmem:s22+$0xB88] =	vst v0  }
0xca: {  	v0 =	vld [tilespmem:$0x115B0];
	_ =	sdelay $0x4  }
0xcb: {  	v0 =	vadd.s32 v0, v54  }
0xcc: {  	v55 =	vld [tilespmem:s22+$0x388];
	[tilespmem:s22+$0xB98] =	vst v0  }
0xcd: {  	v0 =	vld [tilespmem:$0x115C0];
	_ =	sdelay $0x4  }
0xce: {  	v0 =	vadd.s32 v0, v55  }
0xcf: {  	v56 =	vld [tilespmem:s22+$0x398];
	[tilespmem:s22+$0xBA8] =	vst v0  }
0xd0: {  	v0 =	vld [tilespmem:$0x115D0];
	_ =	sdelay $0x4  }
0xd1: {  	v0 =	vadd.s32 v0, v56  }
0xd2: {  	v57 =	vld [tilespmem:s22+$0x3A8];
	[tilespmem:s22+$0xBB8] =	vst v0  }
0xd3: {  	v0 =	vld [tilespmem:$0x115E0];
	_ =	sdelay $0x4  }
0xd4: {  	v0 =	vadd.s32 v0, v57  }
0xd5: {  	v58 =	vld [tilespmem:s22+$0x3B8];
	[tilespmem:s22+$0xBC8] =	vst v0  }
0xd6: {  	v0 =	vld [tilespmem:$0x115F0];
	_ =	sdelay $0x4  }
0xd7: {  	v0 =	vadd.s32 v0, v58  }
0xd8: {  	v59 =	vld [tilespmem:s22+$0x3C8];
	[tilespmem:s22+$0xBD8] =	vst v0  }
0xd9: {  	v0 =	vld [tilespmem:$0x11600];
	_ =	sdelay $0x4  }
0xda: {  	v0 =	vadd.s32 v0, v59  }
0xdb: {  	v60 =	vld [tilespmem:s22+$0x3D8];
	[tilespmem:s22+$0xBE8] =	vst v0  }
0xdc: {  	v0 =	vld [tilespmem:$0x11610];
	_ =	sdelay $0x4  }
0xdd: {  	v0 =	vadd.s32 v0, v60  }
0xde: {  	v61 =	vld [tilespmem:s22+$0x3E8];
	[tilespmem:s22+$0xBF8] =	vst v0  }
0xdf: {  	v0 =	vld [tilespmem:$0x11620];
	_ =	sdelay $0x4  }
0xe0: {  	v0 =	vadd.s32 v0, v61  }
0xe1: {  	v62 =	vld [tilespmem:s22+$0x3F8];
	[tilespmem:s22+$0xC08] =	vst v0  }
0xe2: {  	v0 =	vld [tilespmem:$0x11630];
	_ =	sdelay $0x4  }
0xe3: {  	v0 =	vadd.s32 v0, v62  }
0xe4: {  	v63 =	vld [tilespmem:s22+$0x400];
	[tilespmem:s22+$0xC18] =	vst v0  }
0xe5: {  	v0 =	vld [tilespmem:$0x11638];
	_ =	sdelay $0x4  }
0xe6: {  	v0 =	vadd.s32 v0, v63  }
0xe7: {  	s25 =	simm.s32 @!p0 $0x1040;
	s23 =	sadd.s32 $0x820, s22;
	s24 =	simm.s32 @!p0 $0x68;
	[tilespmem:s22+$0xC20] =	vst v0  }
0xe8: {  	[tilespmem:s25], [sflag:$0x1] =	stream.indirect.gather @!p0 [hbm4b:s2+s24], $0x40, s23, s24, $0xb8;
	[tilespmem:$0x11648] =	vst v63  }
0xe9: {  	s26 =	simm.s32 @!p0 $0x2A40;
	s25 =	sadd.s32 @!p0 $0x888, s22  }
0xea: {  	[tilespmem:s26], [sflag:$0x1] =	stream.indirect.gather @!p0 [hbm4b:s2+s24], $0x40, s25, s24, $0xb8;
	[tilespmem:$0x11648] =	vst v63  }
0xeb: {  	s25 =	sadd.s32 $0x8F0, s22;
	s26 =	simm.s32 @!p0 $0x4440  }
0xec: {  	[tilespmem:s26], [sflag:$0x1] =	stream.indirect.gather @!p0 [hbm4b:s2+s24], $0x40, s25, s24, $0xb8;
	[tilespmem:$0x11648] =	vst v63  }
0xed: {  	s28 =	simm.s32 @!p0 $0x5E40;
	s26 =	sadd.s32 @!p0 $0x958, s22  }
0xee: {  	[tilespmem:s28], [sflag:$0x1] =	stream.indirect.gather @!p0 [hbm4b:s2+s24], $0x40, s26, s24, $0xb8;
	[tilespmem:$0x11648] =	vst v63  }
0xef: {  	s26 =	sadd.s32 $0x9C0, s22;
	s28 =	simm.s32 @!p0 $0x7840  }
0xf0: {  	[tilespmem:s28], [sflag:$0x1] =	stream.indirect.gather @!p0 [hbm4b:s2+s24], $0x40, s26, s24, $0xb8;
	[tilespmem:$0x11648] =	vst v63  }
0xf1: {  	s24 =	simm.s32 @p0 $0x3  }
0xf2: {  	_ =	swait.ge @p0 [sflag:s24], $0x8200  }
0xf3: {  	[sflag:s24] =	ssyncset.done @p0 $0x0  }
0xf4: {  	s28 =	simm.s32 @p0 $0x1040;
	[sflag:s24] =	ssyncadd.s32 @p0 $0xFFFF7E00;
	s24 =	simm.s32 @p0 $0x68  }
0xf5: {  	[tilespmem:s28], [sflag:$0x1] =	stream.indirect.gather @p0 [hbm4b:s2+s24], $0x40, s23, s24, $0xb8;
	[tilespmem:$0x11648] =	vst v63  }
0xf6: {  	s23 =	sadd.s32 @p0 $0x888, s22;
	s28 =	simm.s32 @p0 $0x2A40  }
0xf7: {  	[tilespmem:s28], [sflag:$0x1] =	stream.indirect.gather @p0 [hbm4b:s2+s24], $0x40, s23, s24, $0xb8;
	[tilespmem:$0x11648] =	vst v63  }
0xf8: {  	s23 =	simm.s32 @p0 $0x4440  }
0xf9: {  	[tilespmem:s23], [sflag:$0x1] =	stream.indirect.gather @p0 [hbm4b:s2+s24], $0x40, s25, s24, $0xb8;
	[tilespmem:$0x11648] =	vst v63  }
0xfa: {  	s23 =	sadd.s32 @p0 $0x958, s22;
	s25 =	simm.s32 @p0 $0x5E40  }
0xfb: {  	[tilespmem:s25], [sflag:$0x1] =	stream.indirect.gather @p0 [hbm4b:s2+s24], $0x40, s23, s24, $0xb8;
	[tilespmem:$0x11648] =	vst v63  }
0xfc: {  	s23 =	simm.s32 @p0 $0x7840  }
0xfd: {  	[tilespmem:s23], [sflag:$0x1] =	stream.indirect.gather @p0 [hbm4b:s2+s24], $0x40, s26, s24, $0xb8;
	[tilespmem:$0x11648] =	vst v63  }
0xfe: {  	s23 =	simm.s32 @p0 $0x4  }
0xff: {  	_ =	swait.ge @p0 [sflag:s23], $0x8200  }
0x100: {  	[sflag:s23] =	ssyncset.done @p0 $0x0  }
0x101: {  	s28 =	sadd.s32 $0xA28, s22;
	[sflag:s23] =	ssyncadd.s32 @p0 $0xFFFF7E00  }
0x102: {  	[tilespmem:s14], [sflag:$0x2] =	stream.indirect.gather [hbm4b:s2+s13], $0x40, s28, s13, $0xb8;
	[tilespmem:$0x11648] =	vst v63  }
0x103: {  	s30 =	sadd.s32 $0xA90, s22;
	s29 =	rddreg [dreg:$0x3]  }
0x104: {  	[tilespmem:s29], [sflag:$0x2] =	stream.indirect.gather [hbm4b:s2+s13], $0x40, s30, s13, $0xb8;
	[tilespmem:$0x11648] =	vst v63  }
0x105: {  	s24 =	sadd.s32 $0xAF8, s22;
	s31 =	rddreg [dreg:$0x4]  }
0x106: {  	[tilespmem:s31], [sflag:$0x2] =	stream.indirect.gather [hbm4b:s2+s13], $0x40, s24, s13, $0xb8;
	[tilespmem:$0x11648] =	vst v63  }
0x107: {  	s26 =	rddreg [dreg:$0x5];
	s28 =	sadd.s32 $0xB60, s22  }
0x108: {  	[tilespmem:s26], [sflag:$0x2] =	stream.indirect.gather [hbm4b:s2+s13], $0x40, s28, s13, $0xb8;
	[tilespmem:$0x11648] =	vst v63  }
0x109: {  	s22 =	sadd.s32 $0xBC8, s22;
	s29 =	rddreg [dreg:$0x6]  }
0x10a: {  	[tilespmem:s29], [sflag:$0x2] =	stream.indirect.gather [hbm4b:s2+s13], $0x40, s22, s13, $0xb8;
	[tilespmem:$0x11648] =	vst v63  }
0x10b: {  	_ =	swait.ge [sflag:s15], $0x1A00  }
0x10c: {  	[sflag:s15] =	ssyncset.done $0x0  }
0x10d: {  	[sflag:s15] =	ssyncadd.s32 $0xFFFFE600  }
0x10e: {  	_ =	swait.ge [sflag:s15], $0x1A00  }
0x10f: {  	[sflag:s15] =	ssyncset.done $0x0  }
0x110: {  	[sflag:s15] =	ssyncadd.s32 $0xFFFFE600  }
0x111: {  	_ =	swait.ge [sflag:s15], $0x1A00  }
0x112: {  	[sflag:s15] =	ssyncset.done $0x0  }
0x113: {  	[sflag:s15] =	ssyncadd.s32 $0xFFFFE600  }
0x114: {  	_ =	swait.ge [sflag:s15], $0x1A00  }
0x115: {  	[sflag:s15] =	ssyncset.done $0x0  }
0x116: {  	[sflag:s15] =	ssyncadd.s32 $0xFFFFE600  }
0x117: {  	_ =	swait.ge [sflag:s15], $0x1A00  }
0x118: {  	[sflag:s15] =	ssyncset.done $0x0  }
0x119: {  	s31 =	sadd.s32 $0xFFFFEFC0, s20;
	s30 =	rddreg [dreg:$0x7];
	[sflag:s15] =	ssyncadd.s32 $0xFFFFE600  }
0x11a: {  	[hbm4b:s31+s3] =	stream.linear.scatter [tilespmem:s30], [sflag:$0x3], $0x8200, $0x38;
	[tilespmem:$0x11648] =	vst v63  }
0x11b: {  	_ =	swait.ge [sflag:s16], $0x1A00  }
0x11c: {  	[sflag:s16] =	ssyncset.done $0x0  }
0x11d: {  	[sflag:s16] =	ssyncadd.s32 $0xFFFFE600  }
0x11e: {  	_ =	swait.ge [sflag:s16], $0x1A00  }
0x11f: {  	[sflag:s16] =	ssyncset.done $0x0  }
0x120: {  	[sflag:s16] =	ssyncadd.s32 $0xFFFFE600  }
0x121: {  	_ =	swait.ge [sflag:s16], $0x1A00  }
0x122: {  	[sflag:s16] =	ssyncset.done $0x0  }
0x123: {  	[sflag:s16] =	ssyncadd.s32 $0xFFFFE600  }
0x124: {  	_ =	swait.ge [sflag:s16], $0x1A00  }
0x125: {  	[sflag:s16] =	ssyncset.done $0x0  }
0x126: {  	[sflag:s16] =	ssyncadd.s32 $0xFFFFE600  }
0x127: {  	_ =	swait.ge [sflag:s16], $0x1A00  }
0x128: {  	p1 =	sne.s32 s21, $0x10;
	[sflag:s16] =	ssyncset.done $0x0  }
.Ltmp0:
0x129: {  	[sflag:s16] =	ssyncadd.s32 $0xFFFFE600;
	(pc) =	sbr.rel @p1 .LBB2_2-.Ltmp0, $4  }
0x12a: {  	[hbm4b:s20+s3] =	stream.linear.scatter [tilespmem:s14], [sflag:$0x4], $0x8200, $0x38;
	[tilespmem:$0x11648] =	vst v63  }
0x12b: {  	_ =	swait.ge [sflag:s12], $0x410  }
0x12c: {  	p0 =	por $0x1, $0x1;
	[sflag:s12] =	ssyncset.done $0x0  }
0x12d: {  	s22 =	smov.u32 s21;
	s20 =	sadd.s32 $0x41000, s20;
	[sflag:s12] =	ssyncadd.s32 $0xFFFFFBF0  }
0x12e: {  	s19 =	sadd.s32 $0x1, s19  }
0x12f: {  	_ =	swait.ge [sflag:s17], $0x8200;
	p0 =	sne.s32 s19, s8  }
.Ltmp1:
0x130: {  	[sflag:s17] =	ssyncset.done $0x0;
	(pc) =	sbr.rel @p0 .LBB2_1-.Ltmp1, $4  }
0x131: {  	[sflag:s17] =	ssyncadd.s32 $0xFFFF7E00  }
0x132: {  	_ =	swait.ge [sflag:s18], $0x8200  }
0x133: {  	[sflag:s18] =	ssyncset.done $0x0  }
0x134: {  	[sflag:s18] =	ssyncadd.s32 $0xFFFF7E00  }
0x135: {  	_ =	sfence.sel $0x180000  }
0x136: {  	[bflag:$0x0] =	sbarrier.arrive $0xFFFF  }
0x137: {  	p0 =	sne.s32 s1, $0x0;
	_ =	strace $0x90000047  }
0x138: {  	s0 =	sadd.s32 @!p0 $0x100000, s0;
	[bflag:$0x2] =	sbarrier.arrive $0xFFFF  }
0x139: {  	[sflag:s0] =	ssyncadd.tile.s32 @!p0 $0x1;
	_ =	shalt  }
.Lfunc_end2:
_tile_overlayer_lowered:
.L_overlay_start_2:
0x13a: {  	(tag) =	ssettag $0x2  }
0x13b: {  	s0 =	rddreg [dreg:$0x0];
	s2 =	stileid.u32  }
0x13c: {  	s1 =	rddreg [dreg:$0x1];
	p0 =	sne.s32 s2, $0x0  }
0x13d: {  	s3 =	rddreg [dreg:$0x2];
	[bflag:$0x3] =	sbarrier.arrive $0xFFFF;
	s2 =	simm.s32 @!p0 $0x1C06  }
0x13e: {  	[timem:s3], [sflag:s2] =	dma.local @!p0 [hbm:s0], s1  }
0x13f: {  	s0 =	simm.s32 @!p0 $0x6  }
0x140: {  	_ =	swait.ge @!p0 [sflag:s0], s1  }
0x141: {  	s1 =	ssub.s32 @!p0 $0x0, s1;
	[sflag:s0] =	ssyncset.done @!p0 $0x0  }
0x142: {  	[sflag:s0] =	ssyncadd.s32 @!p0 s1  }
0x143: {  	[bflag:$0x3] =	sbarrier.arrive $0xFFFF  }
0x144: {  	_ =	shalt  }

</sc_bundles>
